<compile_context>
chip_gen: v7x
topology: tpu7x:2x2x1
jax: 0.10.2.dev20260603
libtpu: 0.0.44.dev20260713+nightly
codegen_flags: <defaults>
</compile_context>

<pallas_src>
import functools
import math

import jax
import jax.numpy as jnp
from jax import lax
from jax.experimental import pallas as pl
from jax.experimental.pallas import tpu as pltpu
from jax.experimental.pallas import tpu_sc as plsc

_NUM_SC = 2
_NUM_TEC = 16
_LANES = 16


def _score_body(q_ref, s_ref):
    q = q_ref[...]
    s = jnp.sum(q * q, axis=1)
    s_ref[...] = lax.bitcast_convert_type(s, jnp.int32).reshape(s_ref.shape)


def _topk_body(u, bh, T, U, s_hbm, idx_hbm, s_vmem, idx_vmem):
    rows = T // 128
    kper = 128 // _LANES
    wid = lax.axis_index("s") * _NUM_SC + lax.axis_index("c")

    heads_per_tile = (bh + _NUM_SC * _NUM_TEC - 1) // (_NUM_SC * _NUM_TEC)
    for rep in range(heads_per_tile):
        head = wid + rep * (_NUM_SC * _NUM_TEC)

        @pl.when(head < bh)
        def _process():
            pltpu.sync_copy(s_hbm.at[pl.ds(head * rows, rows)], s_vmem)

            zero = jnp.zeros((_LANES,), jnp.int32)

            def count_gt(mid):
                def body(r, acc):
                    for k in range(kper):
                        bits = s_vmem[r, pl.ds(k * _LANES, _LANES)]
                        acc = acc + (bits > mid).astype(jnp.int32)
                    return acc

                return jnp.sum(lax.fori_loop(0, rows, body, zero))

            def b_body(_, lo_hi):
                lo, hi = lo_hi
                mid = lo + ((hi - lo) >> 1)
                big = count_gt(mid) >= u
                return (jnp.where(big, mid, lo), jnp.where(big, hi, mid))

            lo0 = jnp.int32(-1)
            hi0 = jnp.int32(0x7F800000)
            _, thr = lax.fori_loop(0, 32, b_body, (lo0, hi0))

            for j in range(U // _LANES):
                idx_vmem[pl.ds(j * _LANES, _LANES)] = jnp.full(
                    (_LANES,), -1, jnp.int32)

            def emit(r, off):
                for k in range(kper):
                    bits = s_vmem[r, pl.ds(k * _LANES, _LANES)]
                    m = bits >= thr
                    ones = jnp.where(m, 1, 0).astype(jnp.int32)
                    pos = off + plsc.cumsum(ones) - 1
                    vals = r * 128 + k * _LANES + lax.iota(jnp.int32, _LANES)
                    plsc.store_scatter(idx_vmem, [pos], vals,
                                       mask=m & (pos < U))
                    off = off + plsc.all_reduce_population_count(m)
                return off

            lax.fori_loop(0, rows, emit, jnp.zeros((_LANES,), jnp.int32))
            pltpu.sync_copy(idx_vmem, idx_hbm.at[head])


def _attn_body(scale, U, T, hpb, q_ref, k_ref, v_ref, ib_ref, o_ref):
    i = pl.program_id(0)
    for j in range(hpb):
        qt = q_ref[j]
        kt = k_ref[j]
        vt = v_ref[j]
        ib = ib_ref[pl.ds(i * hpb + j, 1), :]

        iota_tu = lax.broadcasted_iota(jnp.int32, (T, U), 0)
        onehot_t = (iota_tu == ib).astype(jnp.float32)

        q_sel = jnp.dot(qt, onehot_t,
                        preferred_element_type=jnp.float32)
        s = lax.dot_general(kt, q_sel, (((0,), (0,)), ((), ())),
                            preferred_element_type=jnp.float32) * scale
        m = jnp.max(s, axis=0, keepdims=True)
        e = jnp.exp(s - m)
        ones_t = jnp.ones((1, T), jnp.float32)
        denom = jnp.dot(ones_t, e,
                        preferred_element_type=jnp.float32)
        o_sel = jnp.dot(vt, e,
                        preferred_element_type=jnp.float32) / denom

        vmean = jnp.mean(vt, axis=1, keepdims=True)
        o_ref[j] = vmean + lax.dot_general(
            o_sel - vmean, onehot_t, (((1,), (1,)), ((), ())),
            preferred_element_type=jnp.float32)


def kernel(Q, K, V):
    B, H, T, D = Q.shape
    Tk = K.shape[2]
    u = max(1, min(T, int(math.ceil(math.log(Tk + 1) * 16))))
    U = ((u + 127) // 128) * 128
    BH = B * H
    scale = 1.0 / math.sqrt(D)

    Q2 = jnp.swapaxes(Q, 2, 3).reshape(BH, D, T)
    K2 = jnp.swapaxes(K, 2, 3).reshape(BH, D, T)
    V2 = jnp.swapaxes(V, 2, 3).reshape(BH, D, T)

    s_bits = pl.pallas_call(
        _score_body,
        grid=(BH // 8,),
        in_specs=[pl.BlockSpec((8, D, T), lambda i: (i, 0, 0))],
        out_specs=pl.BlockSpec((8 * T // 128, 128), lambda i: (i, 0)),
        out_shape=jax.ShapeDtypeStruct((BH * T // 128, 128), jnp.int32),
    )(Q2)

    mesh = plsc.VectorSubcoreMesh(core_axis_name="c", subcore_axis_name="s",
                                  num_cores=_NUM_SC, num_subcores=_NUM_TEC)
    topk = functools.partial(
        pl.kernel,
        out_type=jax.ShapeDtypeStruct((BH, U), jnp.int32),
        mesh=mesh,
        compiler_params=pltpu.CompilerParams(needs_layout_passes=False,
                                             use_tc_tiling_on_sc=True),
        scratch_types=[
            pltpu.VMEM((T // 128, 128), jnp.int32),
            pltpu.VMEM((U,), jnp.int32),
        ],
    )(functools.partial(_topk_body, u, BH, T, U))
    idx = topk(s_bits)

    hpb = 4
    out2 = pl.pallas_call(
        functools.partial(_attn_body, scale, U, T, hpb),
        grid=(BH // hpb,),
        in_specs=[
            pl.BlockSpec((hpb, D, T), lambda i: (i, 0, 0)),
            pl.BlockSpec((hpb, D, T), lambda i: (i, 0, 0)),
            pl.BlockSpec((hpb, D, T), lambda i: (i, 0, 0)),
            pl.BlockSpec((BH, U), lambda i: (0, 0)),
        ],
        out_specs=pl.BlockSpec((hpb, D, T), lambda i: (i, 0, 0)),
        out_shape=jax.ShapeDtypeStruct((BH, D, T), jnp.float32),
    )(Q2, K2, V2, idx)

    return jnp.swapaxes(out2.reshape(B, H, D, T), 2, 3)

# --- scband reference (transcript-rebuilt; emitter-appended) ---
"""Pipeline reference for scband-prob-sparse-attention-25958782337325 (READ-ONLY COPY).

The authoritative reference and input builder live on the scoring server;
editing this copy changes nothing except your own understanding.
"""

import math
import jax, jax.numpy as jnp
import numpy as np


def setup_inputs(seed: int = 0) -> dict:
    key = jax.random.key(seed)
    k1, k2, k3 = jax.random.split(key, 3)
    B, H, Tq, Dh = 2, 16, 2048, 64
    Q = jax.random.normal(k1, (B, H, Tq, Dh), dtype=jnp.float32)
    K = jax.random.normal(k2, (B, H, Tq, Dh), dtype=jnp.float32)
    V = jax.random.normal(k3, (B, H, Tq, Dh), dtype=jnp.float32)
    return {"Q": Q, "K": K, "V": V}


def reference(Q, K, V):
    B, H, Tq, Dh = Q.shape
    Tk = K.shape[2]
    top_u = max(1, min(Tq, int(math.ceil(math.log(Tk + 1) * 16))))
    # q_score = ||q||^2 per query; pick top-u 'active' queries per (b, h)
    q_score = jnp.sum(Q * Q, axis=-1)  # [B, H, Tq]
    _, top_idx = jax.lax.top_k(q_score, top_u)  # [B, H, u]
    # lazy default output: mean of V broadcast over query positions
    context = jnp.mean(V, axis=2, keepdims=True)  # [B, H, 1, Dh]
    out = jnp.broadcast_to(context, (B, H, Tq, Dh))
    scale = 1.0 / math.sqrt(Dh)
    # gather selected queries
    q_sel = jnp.take_along_axis(Q, top_idx[..., None], axis=2)  # [B, H, u, Dh]
    scores = jnp.einsum('bhud,bhkd->bhuk', q_sel, K) * scale  # [B, H, u, Tk]
    attn = jax.nn.softmax(scores, axis=-1)
    # dropout p = 0.0 -> identity
    o_sel = jnp.einsum('bhuk,bhkd->bhud', attn, V)  # [B, H, u, Dh]
    # scatter-overwrite selected query outputs
    b_idx = jnp.arange(B)[:, None, None]
    h_idx = jnp.arange(H)[None, :, None]
    out = out.at[b_idx, h_idx, top_idx].set(o_sel)
    return out

if __name__ == "__main__":
    import jax
    _d = setup_inputs()
    print(jax.jit(kernel)(*tuple(_d.values())))

</pallas_src>

<mosaic_0001>
#map = affine_map<(d0, d1) -> (0, 0)>
module attributes {stable_mosaic.version = 14 : i64} {
  func.func @_topk_body(%arg0: i32, %arg1: i32, %arg2: memref<512x128xi32, #tpu.memory_space<hbm>>, %arg3: memref<32x128xi32, #tpu.memory_space<hbm>>, %arg4: memref<16x128xi32, #tpu.memory_space<vmem>>, %arg5: memref<128xi32, #tpu.memory_space<vmem>>) attributes {dimension_semantics = [#tpu.dimension_semantics<core_parallel>, #tpu.dimension_semantics<subcore_parallel>], iteration_bounds = array<i64: 2, 16>, scalar_prefetch = 0 : i64, scratch_operands = 2 : i64, tpu.core_type = #tpu.core_type<sc_vector_subcore>, window_params = [{transform_indices = #map}, {transform_indices = #map}]} {
    %mul3A = arith.constant 2 : i32
    %mul3A_0 = arith.muli %arg1, %mul3A : i32
    %add3A = arith.addi %mul3A_0, %arg0 : i32
    %add3A_1 = arith.constant 0 : i32
    %add3A_2 = arith.addi %add3A, %add3A_1 : i32
    %lt3A = arith.constant 32 : i32
    %lt3A_3 = arith.cmpi slt, %add3A_2, %lt3A : i32
    %convert_element_type3A = arith.extui %lt3A_3 : i1 to i32
    %cond3A = arith.constant 0 : i32
    %cond3A_4 = arith.cmpi ne, %convert_element_type3A, %cond3A : i32
    scf.if %cond3A_4 {
      %mul3A_5 = arith.constant 16 : i32
      %mul3A_6 = arith.muli %add3A_2, %mul3A_5 : i32
      "tpu.region"() ({
        %run_scoped3A = tpu.sem_alloc : memref<!tpu.dma_semaphore, #tpu.memory_space<semaphore_mem>>
        %dma_start3A = arith.constant 0 : i32
        %dma_start3A_54 = tpu.memref_slice %arg2[%mul3A_6, %dma_start3A] : memref<512x128xi32, #tpu.memory_space<hbm>> -> memref<16x128xi32, #tpu.memory_space<hbm>>
        %dma_start3A_55 = arith.constant 0 : i32
        %dma_start3A_56 = tpu.memref_slice %arg2[%mul3A_6, %dma_start3A_55] : memref<512x128xi32, #tpu.memory_space<hbm>> -> memref<16x128xi32, #tpu.memory_space<hbm>>
        tpu.enqueue_dma source(%dma_start3A_56 : memref<16x128xi32, #tpu.memory_space<hbm>>) target(%arg4 : memref<16x128xi32, #tpu.memory_space<vmem>>) target_semaphore(%run_scoped3A : memref<!tpu.dma_semaphore, #tpu.memory_space<semaphore_mem>>)
        %dma_wait3A = arith.constant 0 : i32
        %dma_wait3A_57 = tpu.memref_slice %arg2[%mul3A_6, %dma_wait3A] : memref<512x128xi32, #tpu.memory_space<hbm>> -> memref<16x128xi32, #tpu.memory_space<hbm>>
        %dma_wait3A_58 = arith.constant 0 : i32
        %dma_wait3A_59 = tpu.memref_slice %arg2[%mul3A_6, %dma_wait3A_58] : memref<512x128xi32, #tpu.memory_space<hbm>> -> memref<16x128xi32, #tpu.memory_space<hbm>>
        tpu.wait_dma2 semaphore(%run_scoped3A : memref<!tpu.dma_semaphore, #tpu.memory_space<semaphore_mem>>) src(%dma_wait3A_59 : memref<16x128xi32, #tpu.memory_space<hbm>>) dst(%arg4 : memref<16x128xi32, #tpu.memory_space<vmem>>)
        tpu.yield
      }) : () -> ()
      %broadcast_in_dim3A = arith.constant 0 : i32
      %broadcast_in_dim3A_7 = vector.broadcast %broadcast_in_dim3A : i32 to vector<16xi32>
      %scan3A = arith.constant -1 : i32
      %scan3A_8 = arith.constant 2139095040 : i32
      %scan3A_9 = arith.constant 0 : i32
      %scan3A_10 = arith.constant 32 : i32
      %scan3A_11 = arith.addi %scan3A_9, %scan3A_10 : i32
      %scan3A_12 = arith.constant 1 : i32
      %scan3A_13:2 = scf.for %scan3A_54 = %scan3A_9 to %scan3A_11 step %scan3A_12 iter_args(%scan3A_55 = %scan3A, %scan3A_56 = %scan3A_8) -> (i32, i32)  : i32 {
        %sub3A = arith.subi %scan3A_56, %scan3A_55 : i32
        %shift_right_arithmetic3A = arith.constant 1 : i32
        %shift_right_arithmetic3A_57 = arith.shrsi %sub3A, %shift_right_arithmetic3A : i32
        %add3A_58 = arith.addi %scan3A_55, %shift_right_arithmetic3A_57 : i32
        %scan3A_59 = arith.constant 0 : i32
        %scan3A_60 = arith.constant 16 : i32
        %scan3A_61 = arith.addi %scan3A_59, %scan3A_60 : i32
        %scan3A_62 = arith.constant 1 : i32
        %scan3A_63 = scf.for %scan3A_70 = %scan3A_59 to %scan3A_61 step %scan3A_62 iter_args(%scan3A_71 = %broadcast_in_dim3A_7) -> (vector<16xi32>)  : i32 {
          %get3A = arith.index_cast %scan3A_70 : i32 to index
          %get3A_72 = arith.constant 0 : index
          %get3A_73 = tpu.vector_load %arg4[%get3A, %get3A_72] {strides = array<i32>} : memref<16x128xi32, #tpu.memory_space<vmem>>, vector<16xi32>,
          %gt3A = vector.broadcast %add3A_58 : i32 to vector<16xi32>
          %gt3A_74 = arith.cmpi sgt, %get3A_73, %gt3A : vector<16xi32>
          %convert_element_type3A_75 = arith.extui %gt3A_74 : vector<16xi1> to vector<16xi32>
          %add3A_76 = arith.addi %scan3A_71, %convert_element_type3A_75 : vector<16xi32>
          %get3A_77 = arith.index_cast %scan3A_70 : i32 to index
          %get3A_78 = arith.constant 16 : index
          %get3A_79 = tpu.vector_load %arg4[%get3A_77, %get3A_78] {strides = array<i32>} : memref<16x128xi32, #tpu.memory_space<vmem>>, vector<16xi32>,
          %gt3A_80 = vector.broadcast %add3A_58 : i32 to vector<16xi32>
          %gt3A_81 = arith.cmpi sgt, %get3A_79, %gt3A_80 : vector<16xi32>
          %convert_element_type3A_82 = arith.extui %gt3A_81 : vector<16xi1> to vector<16xi32>
          %add3A_83 = arith.addi %add3A_76, %convert_element_type3A_82 : vector<16xi32>
          %get3A_84 = arith.index_cast %scan3A_70 : i32 to index
          %get3A_85 = arith.constant 32 : index
          %get3A_86 = tpu.vector_load %arg4[%get3A_84, %get3A_85] {strides = array<i32>} : memref<16x128xi32, #tpu.memory_space<vmem>>, vector<16xi32>,
          %gt3A_87 = vector.broadcast %add3A_58 : i32 to vector<16xi32>
          %gt3A_88 = arith.cmpi sgt, %get3A_86, %gt3A_87 : vector<16xi32>
          %convert_element_type3A_89 = arith.extui %gt3A_88 : vector<16xi1> to vector<16xi32>
          %add3A_90 = arith.addi %add3A_83, %convert_element_type3A_89 : vector<16xi32>
          %get3A_91 = arith.index_cast %scan3A_70 : i32 to index
          %get3A_92 = arith.constant 48 : index
          %get3A_93 = tpu.vector_load %arg4[%get3A_91, %get3A_92] {strides = array<i32>} : memref<16x128xi32, #tpu.memory_space<vmem>>, vector<16xi32>,
          %gt3A_94 = vector.broadcast %add3A_58 : i32 to vector<16xi32>
          %gt3A_95 = arith.cmpi sgt, %get3A_93, %gt3A_94 : vector<16xi32>
          %convert_element_type3A_96 = arith.extui %gt3A_95 : vector<16xi1> to vector<16xi32>
          %add3A_97 = arith.addi %add3A_90, %convert_element_type3A_96 : vector<16xi32>
          %get3A_98 = arith.index_cast %scan3A_70 : i32 to index
          %get3A_99 = arith.constant 64 : index
          %get3A_100 = tpu.vector_load %arg4[%get3A_98, %get3A_99] {strides = array<i32>} : memref<16x128xi32, #tpu.memory_space<vmem>>, vector<16xi32>,
          %gt3A_101 = vector.broadcast %add3A_58 : i32 to vector<16xi32>
          %gt3A_102 = arith.cmpi sgt, %get3A_100, %gt3A_101 : vector<16xi32>
          %convert_element_type3A_103 = arith.extui %gt3A_102 : vector<16xi1> to vector<16xi32>
          %add3A_104 = arith.addi %add3A_97, %convert_element_type3A_103 : vector<16xi32>
          %get3A_105 = arith.index_cast %scan3A_70 : i32 to index
          %get3A_106 = arith.constant 80 : index
          %get3A_107 = tpu.vector_load %arg4[%get3A_105, %get3A_106] {strides = array<i32>} : memref<16x128xi32, #tpu.memory_space<vmem>>, vector<16xi32>,
          %gt3A_108 = vector.broadcast %add3A_58 : i32 to vector<16xi32>
          %gt3A_109 = arith.cmpi sgt, %get3A_107, %gt3A_108 : vector<16xi32>
          %convert_element_type3A_110 = arith.extui %gt3A_109 : vector<16xi1> to vector<16xi32>
          %add3A_111 = arith.addi %add3A_104, %convert_element_type3A_110 : vector<16xi32>
          %get3A_112 = arith.index_cast %scan3A_70 : i32 to index
          %get3A_113 = arith.constant 96 : index
          %get3A_114 = tpu.vector_load %arg4[%get3A_112, %get3A_113] {strides = array<i32>} : memref<16x128xi32, #tpu.memory_space<vmem>>, vector<16xi32>,
          %gt3A_115 = vector.broadcast %add3A_58 : i32 to vector<16xi32>
          %gt3A_116 = arith.cmpi sgt, %get3A_114, %gt3A_115 : vector<16xi32>
          %convert_element_type3A_117 = arith.extui %gt3A_116 : vector<16xi1> to vector<16xi32>
          %add3A_118 = arith.addi %add3A_111, %convert_element_type3A_117 : vector<16xi32>
          %get3A_119 = arith.index_cast %scan3A_70 : i32 to index
          %get3A_120 = arith.constant 112 : index
          %get3A_121 = tpu.vector_load %arg4[%get3A_119, %get3A_120] {strides = array<i32>} : memref<16x128xi32, #tpu.memory_space<vmem>>, vector<16xi32>,
          %gt3A_122 = vector.broadcast %add3A_58 : i32 to vector<16xi32>
          %gt3A_123 = arith.cmpi sgt, %get3A_121, %gt3A_122 : vector<16xi32>
          %convert_element_type3A_124 = arith.extui %gt3A_123 : vector<16xi1> to vector<16xi32>
          %add3A_125 = arith.addi %add3A_118, %convert_element_type3A_124 : vector<16xi32>
          scf.yield %add3A_125 : vector<16xi32>
        }
        %scan3A_64 = arith.constant 16 : i32
        %reduce_sum3A = arith.constant true
        %reduce_sum3A_65 = vector.broadcast %reduce_sum3A : i1 to vector<16xi1>
        %reduce_sum3A_66 = tpu.scan <sum>, %scan3A_63 masked %reduce_sum3A_65 : vector<16xi32>, vector<16xi1> -> vector<16xi32>
        %reduce_sum3A_67 = vector.extract %reduce_sum3A_66[15] : i32 from vector<16xi32>
        %ge3A = arith.constant 123 : i32
        %ge3A_68 = arith.cmpi sge, %reduce_sum3A_67, %ge3A : i32
        %select_n3A = arith.select %ge3A_68, %add3A_58, %scan3A_55 : i32
        %select_n3A_69 = arith.select %ge3A_68, %scan3A_56, %add3A_58 : i32
        scf.yield %select_n3A, %select_n3A_69 : i32, i32
      }
      %scan3A_14 = arith.constant 32 : i32
      %broadcast_in_dim3A_15 = arith.constant -1 : i32
      %broadcast_in_dim3A_16 = vector.broadcast %broadcast_in_dim3A_15 : i32 to vector<16xi32>
      %swap3A = arith.constant 0 : index
      %swap3A_17 = tpu.vector_load %arg5[%swap3A] {strides = array<i32>} : memref<128xi32, #tpu.memory_space<vmem>>, vector<16xi32>,
      tpu.vector_store %arg5[%swap3A], %broadcast_in_dim3A_16 {strides = array<i32>} : memref<128xi32, #tpu.memory_space<vmem>>, vector<16xi32>,
      %broadcast_in_dim3A_18 = arith.constant -1 : i32
      %broadcast_in_dim3A_19 = vector.broadcast %broadcast_in_dim3A_18 : i32 to vector<16xi32>
      %swap3A_20 = arith.constant 16 : index
      %swap3A_21 = tpu.vector_load %arg5[%swap3A_20] {strides = array<i32>} : memref<128xi32, #tpu.memory_space<vmem>>, vector<16xi32>,
      tpu.vector_store %arg5[%swap3A_20], %broadcast_in_dim3A_19 {strides = array<i32>} : memref<128xi32, #tpu.memory_space<vmem>>, vector<16xi32>,
      %broadcast_in_dim3A_22 = arith.constant -1 : i32
      %broadcast_in_dim3A_23 = vector.broadcast %broadcast_in_dim3A_22 : i32 to vector<16xi32>
      %swap3A_24 = arith.constant 32 : index
      %swap3A_25 = tpu.vector_load %arg5[%swap3A_24] {strides = array<i32>} : memref<128xi32, #tpu.memory_space<vmem>>, vector<16xi32>,
      tpu.vector_store %arg5[%swap3A_24], %broadcast_in_dim3A_23 {strides = array<i32>} : memref<128xi32, #tpu.memory_space<vmem>>, vector<16xi32>,
      %broadcast_in_dim3A_26 = arith.constant -1 : i32
      %broadcast_in_dim3A_27 = vector.broadcast %broadcast_in_dim3A_26 : i32 to vector<16xi32>
      %swap3A_28 = arith.constant 48 : index
      %swap3A_29 = tpu.vector_load %arg5[%swap3A_28] {strides = array<i32>} : memref<128xi32, #tpu.memory_space<vmem>>, vector<16xi32>,
      tpu.vector_store %arg5[%swap3A_28], %broadcast_in_dim3A_27 {strides = array<i32>} : memref<128xi32, #tpu.memory_space<vmem>>, vector<16xi32>,
      %broadcast_in_dim3A_30 = arith.constant -1 : i32
      %broadcast_in_dim3A_31 = vector.broadcast %broadcast_in_dim3A_30 : i32 to vector<16xi32>
      %swap3A_32 = arith.constant 64 : index
      %swap3A_33 = tpu.vector_load %arg5[%swap3A_32] {strides = array<i32>} : memref<128xi32, #tpu.memory_space<vmem>>, vector<16xi32>,
      tpu.vector_store %arg5[%swap3A_32], %broadcast_in_dim3A_31 {strides = array<i32>} : memref<128xi32, #tpu.memory_space<vmem>>, vector<16xi32>,
      %broadcast_in_dim3A_34 = arith.constant -1 : i32
      %broadcast_in_dim3A_35 = vector.broadcast %broadcast_in_dim3A_34 : i32 to vector<16xi32>
      %swap3A_36 = arith.constant 80 : index
      %swap3A_37 = tpu.vector_load %arg5[%swap3A_36] {strides = array<i32>} : memref<128xi32, #tpu.memory_space<vmem>>, vector<16xi32>,
      tpu.vector_store %arg5[%swap3A_36], %broadcast_in_dim3A_35 {strides = array<i32>} : memref<128xi32, #tpu.memory_space<vmem>>, vector<16xi32>,
      %broadcast_in_dim3A_38 = arith.constant -1 : i32
      %broadcast_in_dim3A_39 = vector.broadcast %broadcast_in_dim3A_38 : i32 to vector<16xi32>
      %swap3A_40 = arith.constant 96 : index
      %swap3A_41 = tpu.vector_load %arg5[%swap3A_40] {strides = array<i32>} : memref<128xi32, #tpu.memory_space<vmem>>, vector<16xi32>,
      tpu.vector_store %arg5[%swap3A_40], %broadcast_in_dim3A_39 {strides = array<i32>} : memref<128xi32, #tpu.memory_space<vmem>>, vector<16xi32>,
      %broadcast_in_dim3A_42 = arith.constant -1 : i32
      %broadcast_in_dim3A_43 = vector.broadcast %broadcast_in_dim3A_42 : i32 to vector<16xi32>
      %swap3A_44 = arith.constant 112 : index
      %swap3A_45 = tpu.vector_load %arg5[%swap3A_44] {strides = array<i32>} : memref<128xi32, #tpu.memory_space<vmem>>, vector<16xi32>,
      tpu.vector_store %arg5[%swap3A_44], %broadcast_in_dim3A_43 {strides = array<i32>} : memref<128xi32, #tpu.memory_space<vmem>>, vector<16xi32>,
      %broadcast_in_dim3A_46 = arith.constant 0 : i32
      %broadcast_in_dim3A_47 = vector.broadcast %broadcast_in_dim3A_46 : i32 to vector<16xi32>
      %scan3A_48 = arith.constant 0 : i32
      %scan3A_49 = arith.constant 16 : i32
      %scan3A_50 = arith.addi %scan3A_48, %scan3A_49 : i32
      %scan3A_51 = arith.constant 1 : i32
      %scan3A_52 = scf.for %scan3A_54 = %scan3A_48 to %scan3A_50 step %scan3A_51 iter_args(%scan3A_55 = %broadcast_in_dim3A_47) -> (vector<16xi32>)  : i32 {
        %get3A = arith.index_cast %scan3A_54 : i32 to index
        %get3A_56 = arith.constant 0 : index
        %get3A_57 = tpu.vector_load %arg4[%get3A, %get3A_56] {strides = array<i32>} : memref<16x128xi32, #tpu.memory_space<vmem>>, vector<16xi32>,
        %ge3A = vector.broadcast %scan3A_13#1 : i32 to vector<16xi32>
        %ge3A_58 = arith.cmpi sge, %get3A_57, %ge3A : vector<16xi32>
        %jit3A = arith.constant 1 : i32
        %jit3A_59 = arith.constant 0 : i32
        %broadcast_in_dim3A_60 = vector.broadcast %jit3A : i32 to vector<16xi32>
        %broadcast_in_dim3A_61 = vector.broadcast %jit3A_59 : i32 to vector<16xi32>
        %select_n3A = arith.select %ge3A_58, %broadcast_in_dim3A_60, %broadcast_in_dim3A_61 : vector<16xi1>, vector<16xi32>
        %broadcast_in_dim3A_62 = arith.constant true
        %broadcast_in_dim3A_63 = vector.broadcast %broadcast_in_dim3A_62 : i1 to vector<16xi1>
        %masked_cumsum3A = tpu.scan <sum>, %select_n3A masked %broadcast_in_dim3A_63 : vector<16xi32>, vector<16xi1> -> vector<16xi32>
        %add3A_64 = arith.addi %scan3A_55, %masked_cumsum3A : vector<16xi32>
        %sub3A = arith.constant 1 : i32
        %sub3A_65 = vector.broadcast %sub3A : i32 to vector<16xi32>
        %sub3A_66 = arith.subi %add3A_64, %sub3A_65 : vector<16xi32>
        %mul3A_67 = arith.constant 128 : i32
        %mul3A_68 = arith.muli %scan3A_54, %mul3A_67 : i32
        %add3A_69 = arith.constant 0 : i32
        %add3A_70 = arith.addi %mul3A_68, %add3A_69 : i32
        %iota3A = tpu.iota {dimensions = array<i32: 0>} : vector<16xi32>
        %add3A_71 = vector.broadcast %add3A_70 : i32 to vector<16xi32>
        %add3A_72 = arith.addi %add3A_71, %iota3A : vector<16xi32>
        %lt3A_73 = arith.constant 128 : i32
        %lt3A_74 = vector.broadcast %lt3A_73 : i32 to vector<16xi32>
        %lt3A_75 = arith.cmpi slt, %sub3A_66, %lt3A_74 : vector<16xi32>
        %and3A = arith.andi %ge3A_58, %lt3A_75 : vector<16xi1>
        tpu.vector_store_idx %arg5[%sub3A_66], %add3A_72 masked %and3A : memref<128xi32, #tpu.memory_space<vmem>>[vector<16xi32>], vector<16xi32>, vector<16xi1>
        %all_reduce_population_count3A = tpu.all_reduce %ge3A_58 {dim = 0 : i64, kind = #tpu.reduction_kind<sum>} : vector<16xi1> -> vector<16xi32>
        %add3A_76 = arith.addi %scan3A_55, %all_reduce_population_count3A : vector<16xi32>
        %get3A_77 = arith.index_cast %scan3A_54 : i32 to index
        %get3A_78 = arith.constant 16 : index
        %get3A_79 = tpu.vector_load %arg4[%get3A_77, %get3A_78] {strides = array<i32>} : memref<16x128xi32, #tpu.memory_space<vmem>>, vector<16xi32>,
        %ge3A_80 = vector.broadcast %scan3A_13#1 : i32 to vector<16xi32>
        %ge3A_81 = arith.cmpi sge, %get3A_79, %ge3A_80 : vector<16xi32>
        %jit3A_82 = arith.constant 1 : i32
        %jit3A_83 = arith.constant 0 : i32
        %broadcast_in_dim3A_84 = vector.broadcast %jit3A_82 : i32 to vector<16xi32>
        %broadcast_in_dim3A_85 = vector.broadcast %jit3A_83 : i32 to vector<16xi32>
        %select_n3A_86 = arith.select %ge3A_81, %broadcast_in_dim3A_84, %broadcast_in_dim3A_85 : vector<16xi1>, vector<16xi32>
        %broadcast_in_dim3A_87 = arith.constant true
        %broadcast_in_dim3A_88 = vector.broadcast %broadcast_in_dim3A_87 : i1 to vector<16xi1>
        %masked_cumsum3A_89 = tpu.scan <sum>, %select_n3A_86 masked %broadcast_in_dim3A_88 : vector<16xi32>, vector<16xi1> -> vector<16xi32>
        %add3A_90 = arith.addi %add3A_76, %masked_cumsum3A_89 : vector<16xi32>
        %sub3A_91 = arith.constant 1 : i32
        %sub3A_92 = vector.broadcast %sub3A_91 : i32 to vector<16xi32>
        %sub3A_93 = arith.subi %add3A_90, %sub3A_92 : vector<16xi32>
        %mul3A_94 = arith.constant 128 : i32
        %mul3A_95 = arith.muli %scan3A_54, %mul3A_94 : i32
        %add3A_96 = arith.constant 16 : i32
        %add3A_97 = arith.addi %mul3A_95, %add3A_96 : i32
        %iota3A_98 = tpu.iota {dimensions = array<i32: 0>} : vector<16xi32>
        %add3A_99 = vector.broadcast %add3A_97 : i32 to vector<16xi32>
        %add3A_100 = arith.addi %add3A_99, %iota3A_98 : vector<16xi32>
        %lt3A_101 = arith.constant 128 : i32
        %lt3A_102 = vector.broadcast %lt3A_101 : i32 to vector<16xi32>
        %lt3A_103 = arith.cmpi slt, %sub3A_93, %lt3A_102 : vector<16xi32>
        %and3A_104 = arith.andi %ge3A_81, %lt3A_103 : vector<16xi1>
        tpu.vector_store_idx %arg5[%sub3A_93], %add3A_100 masked %and3A_104 : memref<128xi32, #tpu.memory_space<vmem>>[vector<16xi32>], vector<16xi32>, vector<16xi1>
        %all_reduce_population_count3A_105 = tpu.all_reduce %ge3A_81 {dim = 0 : i64, kind = #tpu.reduction_kind<sum>} : vector<16xi1> -> vector<16xi32>
        %add3A_106 = arith.addi %add3A_76, %all_reduce_population_count3A_105 : vector<16xi32>
        %get3A_107 = arith.index_cast %scan3A_54 : i32 to index
        %get3A_108 = arith.constant 32 : index
        %get3A_109 = tpu.vector_load %arg4[%get3A_107, %get3A_108] {strides = array<i32>} : memref<16x128xi32, #tpu.memory_space<vmem>>, vector<16xi32>,
        %ge3A_110 = vector.broadcast %scan3A_13#1 : i32 to vector<16xi32>
        %ge3A_111 = arith.cmpi sge, %get3A_109, %ge3A_110 : vector<16xi32>
        %jit3A_112 = arith.constant 1 : i32
        %jit3A_113 = arith.constant 0 : i32
        %broadcast_in_dim3A_114 = vector.broadcast %jit3A_112 : i32 to vector<16xi32>
        %broadcast_in_dim3A_115 = vector.broadcast %jit3A_113 : i32 to vector<16xi32>
        %select_n3A_116 = arith.select %ge3A_111, %broadcast_in_dim3A_114, %broadcast_in_dim3A_115 : vector<16xi1>, vector<16xi32>
        %broadcast_in_dim3A_117 = arith.constant true
        %broadcast_in_dim3A_118 = vector.broadcast %broadcast_in_dim3A_117 : i1 to vector<16xi1>
        %masked_cumsum3A_119 = tpu.scan <sum>, %select_n3A_116 masked %broadcast_in_dim3A_118 : vector<16xi32>, vector<16xi1> -> vector<16xi32>
        %add3A_120 = arith.addi %add3A_106, %masked_cumsum3A_119 : vector<16xi32>
        %sub3A_121 = arith.constant 1 : i32
        %sub3A_122 = vector.broadcast %sub3A_121 : i32 to vector<16xi32>
        %sub3A_123 = arith.subi %add3A_120, %sub3A_122 : vector<16xi32>
        %mul3A_124 = arith.constant 128 : i32
        %mul3A_125 = arith.muli %scan3A_54, %mul3A_124 : i32
        %add3A_126 = arith.constant 32 : i32
        %add3A_127 = arith.addi %mul3A_125, %add3A_126 : i32
        %iota3A_128 = tpu.iota {dimensions = array<i32: 0>} : vector<16xi32>
        %add3A_129 = vector.broadcast %add3A_127 : i32 to vector<16xi32>
        %add3A_130 = arith.addi %add3A_129, %iota3A_128 : vector<16xi32>
        %lt3A_131 = arith.constant 128 : i32
        %lt3A_132 = vector.broadcast %lt3A_131 : i32 to vector<16xi32>
        %lt3A_133 = arith.cmpi slt, %sub3A_123, %lt3A_132 : vector<16xi32>
        %and3A_134 = arith.andi %ge3A_111, %lt3A_133 : vector<16xi1>
        tpu.vector_store_idx %arg5[%sub3A_123], %add3A_130 masked %and3A_134 : memref<128xi32, #tpu.memory_space<vmem>>[vector<16xi32>], vector<16xi32>, vector<16xi1>
        %all_reduce_population_count3A_135 = tpu.all_reduce %ge3A_111 {dim = 0 : i64, kind = #tpu.reduction_kind<sum>} : vector<16xi1> -> vector<16xi32>
        %add3A_136 = arith.addi %add3A_106, %all_reduce_population_count3A_135 : vector<16xi32>
        %get3A_137 = arith.index_cast %scan3A_54 : i32 to index
        %get3A_138 = arith.constant 48 : index
        %get3A_139 = tpu.vector_load %arg4[%get3A_137, %get3A_138] {strides = array<i32>} : memref<16x128xi32, #tpu.memory_space<vmem>>, vector<16xi32>,
        %ge3A_140 = vector.broadcast %scan3A_13#1 : i32 to vector<16xi32>
        %ge3A_141 = arith.cmpi sge, %get3A_139, %ge3A_140 : vector<16xi32>
        %jit3A_142 = arith.constant 1 : i32
        %jit3A_143 = arith.constant 0 : i32
        %broadcast_in_dim3A_144 = vector.broadcast %jit3A_142 : i32 to vector<16xi32>
        %broadcast_in_dim3A_145 = vector.broadcast %jit3A_143 : i32 to vector<16xi32>
        %select_n3A_146 = arith.select %ge3A_141, %broadcast_in_dim3A_144, %broadcast_in_dim3A_145 : vector<16xi1>, vector<16xi32>
        %broadcast_in_dim3A_147 = arith.constant true
        %broadcast_in_dim3A_148 = vector.broadcast %broadcast_in_dim3A_147 : i1 to vector<16xi1>
        %masked_cumsum3A_149 = tpu.scan <sum>, %select_n3A_146 masked %broadcast_in_dim3A_148 : vector<16xi32>, vector<16xi1> -> vector<16xi32>
        %add3A_150 = arith.addi %add3A_136, %masked_cumsum3A_149 : vector<16xi32>
        %sub3A_151 = arith.constant 1 : i32
        %sub3A_152 = vector.broadcast %sub3A_151 : i32 to vector<16xi32>
        %sub3A_153 = arith.subi %add3A_150, %sub3A_152 : vector<16xi32>
        %mul3A_154 = arith.constant 128 : i32
        %mul3A_155 = arith.muli %scan3A_54, %mul3A_154 : i32
        %add3A_156 = arith.constant 48 : i32
        %add3A_157 = arith.addi %mul3A_155, %add3A_156 : i32
        %iota3A_158 = tpu.iota {dimensions = array<i32: 0>} : vector<16xi32>
        %add3A_159 = vector.broadcast %add3A_157 : i32 to vector<16xi32>
        %add3A_160 = arith.addi %add3A_159, %iota3A_158 : vector<16xi32>
        %lt3A_161 = arith.constant 128 : i32
        %lt3A_162 = vector.broadcast %lt3A_161 : i32 to vector<16xi32>
        %lt3A_163 = arith.cmpi slt, %sub3A_153, %lt3A_162 : vector<16xi32>
        %and3A_164 = arith.andi %ge3A_141, %lt3A_163 : vector<16xi1>
        tpu.vector_store_idx %arg5[%sub3A_153], %add3A_160 masked %and3A_164 : memref<128xi32, #tpu.memory_space<vmem>>[vector<16xi32>], vector<16xi32>, vector<16xi1>
        %all_reduce_population_count3A_165 = tpu.all_reduce %ge3A_141 {dim = 0 : i64, kind = #tpu.reduction_kind<sum>} : vector<16xi1> -> vector<16xi32>
        %add3A_166 = arith.addi %add3A_136, %all_reduce_population_count3A_165 : vector<16xi32>
        %get3A_167 = arith.index_cast %scan3A_54 : i32 to index
        %get3A_168 = arith.constant 64 : index
        %get3A_169 = tpu.vector_load %arg4[%get3A_167, %get3A_168] {strides = array<i32>} : memref<16x128xi32, #tpu.memory_space<vmem>>, vector<16xi32>,
        %ge3A_170 = vector.broadcast %scan3A_13#1 : i32 to vector<16xi32>
        %ge3A_171 = arith.cmpi sge, %get3A_169, %ge3A_170 : vector<16xi32>
        %jit3A_172 = arith.constant 1 : i32
        %jit3A_173 = arith.constant 0 : i32
        %broadcast_in_dim3A_174 = vector.broadcast %jit3A_172 : i32 to vector<16xi32>
        %broadcast_in_dim3A_175 = vector.broadcast %jit3A_173 : i32 to vector<16xi32>
        %select_n3A_176 = arith.select %ge3A_171, %broadcast_in_dim3A_174, %broadcast_in_dim3A_175 : vector<16xi1>, vector<16xi32>
        %broadcast_in_dim3A_177 = arith.constant true
        %broadcast_in_dim3A_178 = vector.broadcast %broadcast_in_dim3A_177 : i1 to vector<16xi1>
        %masked_cumsum3A_179 = tpu.scan <sum>, %select_n3A_176 masked %broadcast_in_dim3A_178 : vector<16xi32>, vector<16xi1> -> vector<16xi32>
        %add3A_180 = arith.addi %add3A_166, %masked_cumsum3A_179 : vector<16xi32>
        %sub3A_181 = arith.constant 1 : i32
        %sub3A_182 = vector.broadcast %sub3A_181 : i32 to vector<16xi32>
        %sub3A_183 = arith.subi %add3A_180, %sub3A_182 : vector<16xi32>
        %mul3A_184 = arith.constant 128 : i32
        %mul3A_185 = arith.muli %scan3A_54, %mul3A_184 : i32
        %add3A_186 = arith.constant 64 : i32
        %add3A_187 = arith.addi %mul3A_185, %add3A_186 : i32
        %iota3A_188 = tpu.iota {dimensions = array<i32: 0>} : vector<16xi32>
        %add3A_189 = vector.broadcast %add3A_187 : i32 to vector<16xi32>
        %add3A_190 = arith.addi %add3A_189, %iota3A_188 : vector<16xi32>
        %lt3A_191 = arith.constant 128 : i32
        %lt3A_192 = vector.broadcast %lt3A_191 : i32 to vector<16xi32>
        %lt3A_193 = arith.cmpi slt, %sub3A_183, %lt3A_192 : vector<16xi32>
        %and3A_194 = arith.andi %ge3A_171, %lt3A_193 : vector<16xi1>
        tpu.vector_store_idx %arg5[%sub3A_183], %add3A_190 masked %and3A_194 : memref<128xi32, #tpu.memory_space<vmem>>[vector<16xi32>], vector<16xi32>, vector<16xi1>
        %all_reduce_population_count3A_195 = tpu.all_reduce %ge3A_171 {dim = 0 : i64, kind = #tpu.reduction_kind<sum>} : vector<16xi1> -> vector<16xi32>
        %add3A_196 = arith.addi %add3A_166, %all_reduce_population_count3A_195 : vector<16xi32>
        %get3A_197 = arith.index_cast %scan3A_54 : i32 to index
        %get3A_198 = arith.constant 80 : index
        %get3A_199 = tpu.vector_load %arg4[%get3A_197, %get3A_198] {strides = array<i32>} : memref<16x128xi32, #tpu.memory_space<vmem>>, vector<16xi32>,
        %ge3A_200 = vector.broadcast %scan3A_13#1 : i32 to vector<16xi32>
        %ge3A_201 = arith.cmpi sge, %get3A_199, %ge3A_200 : vector<16xi32>
        %jit3A_202 = arith.constant 1 : i32
        %jit3A_203 = arith.constant 0 : i32
        %broadcast_in_dim3A_204 = vector.broadcast %jit3A_202 : i32 to vector<16xi32>
        %broadcast_in_dim3A_205 = vector.broadcast %jit3A_203 : i32 to vector<16xi32>
        %select_n3A_206 = arith.select %ge3A_201, %broadcast_in_dim3A_204, %broadcast_in_dim3A_205 : vector<16xi1>, vector<16xi32>
        %broadcast_in_dim3A_207 = arith.constant true
        %broadcast_in_dim3A_208 = vector.broadcast %broadcast_in_dim3A_207 : i1 to vector<16xi1>
        %masked_cumsum3A_209 = tpu.scan <sum>, %select_n3A_206 masked %broadcast_in_dim3A_208 : vector<16xi32>, vector<16xi1> -> vector<16xi32>
        %add3A_210 = arith.addi %add3A_196, %masked_cumsum3A_209 : vector<16xi32>
        %sub3A_211 = arith.constant 1 : i32
        %sub3A_212 = vector.broadcast %sub3A_211 : i32 to vector<16xi32>
        %sub3A_213 = arith.subi %add3A_210, %sub3A_212 : vector<16xi32>
        %mul3A_214 = arith.constant 128 : i32
        %mul3A_215 = arith.muli %scan3A_54, %mul3A_214 : i32
        %add3A_216 = arith.constant 80 : i32
        %add3A_217 = arith.addi %mul3A_215, %add3A_216 : i32
        %iota3A_218 = tpu.iota {dimensions = array<i32: 0>} : vector<16xi32>
        %add3A_219 = vector.broadcast %add3A_217 : i32 to vector<16xi32>
        %add3A_220 = arith.addi %add3A_219, %iota3A_218 : vector<16xi32>
        %lt3A_221 = arith.constant 128 : i32
        %lt3A_222 = vector.broadcast %lt3A_221 : i32 to vector<16xi32>
        %lt3A_223 = arith.cmpi slt, %sub3A_213, %lt3A_222 : vector<16xi32>
        %and3A_224 = arith.andi %ge3A_201, %lt3A_223 : vector<16xi1>
        tpu.vector_store_idx %arg5[%sub3A_213], %add3A_220 masked %and3A_224 : memref<128xi32, #tpu.memory_space<vmem>>[vector<16xi32>], vector<16xi32>, vector<16xi1>
        %all_reduce_population_count3A_225 = tpu.all_reduce %ge3A_201 {dim = 0 : i64, kind = #tpu.reduction_kind<sum>} : vector<16xi1> -> vector<16xi32>
        %add3A_226 = arith.addi %add3A_196, %all_reduce_population_count3A_225 : vector<16xi32>
        %get3A_227 = arith.index_cast %scan3A_54 : i32 to index
        %get3A_228 = arith.constant 96 : index
        %get3A_229 = tpu.vector_load %arg4[%get3A_227, %get3A_228] {strides = array<i32>} : memref<16x128xi32, #tpu.memory_space<vmem>>, vector<16xi32>,
        %ge3A_230 = vector.broadcast %scan3A_13#1 : i32 to vector<16xi32>
        %ge3A_231 = arith.cmpi sge, %get3A_229, %ge3A_230 : vector<16xi32>
        %jit3A_232 = arith.constant 1 : i32
        %jit3A_233 = arith.constant 0 : i32
        %broadcast_in_dim3A_234 = vector.broadcast %jit3A_232 : i32 to vector<16xi32>
        %broadcast_in_dim3A_235 = vector.broadcast %jit3A_233 : i32 to vector<16xi32>
        %select_n3A_236 = arith.select %ge3A_231, %broadcast_in_dim3A_234, %broadcast_in_dim3A_235 : vector<16xi1>, vector<16xi32>
        %broadcast_in_dim3A_237 = arith.constant true
        %broadcast_in_dim3A_238 = vector.broadcast %broadcast_in_dim3A_237 : i1 to vector<16xi1>
        %masked_cumsum3A_239 = tpu.scan <sum>, %select_n3A_236 masked %broadcast_in_dim3A_238 : vector<16xi32>, vector<16xi1> -> vector<16xi32>
        %add3A_240 = arith.addi %add3A_226, %masked_cumsum3A_239 : vector<16xi32>
        %sub3A_241 = arith.constant 1 : i32
        %sub3A_242 = vector.broadcast %sub3A_241 : i32 to vector<16xi32>
        %sub3A_243 = arith.subi %add3A_240, %sub3A_242 : vector<16xi32>
        %mul3A_244 = arith.constant 128 : i32
        %mul3A_245 = arith.muli %scan3A_54, %mul3A_244 : i32
        %add3A_246 = arith.constant 96 : i32
        %add3A_247 = arith.addi %mul3A_245, %add3A_246 : i32
        %iota3A_248 = tpu.iota {dimensions = array<i32: 0>} : vector<16xi32>
        %add3A_249 = vector.broadcast %add3A_247 : i32 to vector<16xi32>
        %add3A_250 = arith.addi %add3A_249, %iota3A_248 : vector<16xi32>
        %lt3A_251 = arith.constant 128 : i32
        %lt3A_252 = vector.broadcast %lt3A_251 : i32 to vector<16xi32>
        %lt3A_253 = arith.cmpi slt, %sub3A_243, %lt3A_252 : vector<16xi32>
        %and3A_254 = arith.andi %ge3A_231, %lt3A_253 : vector<16xi1>
        tpu.vector_store_idx %arg5[%sub3A_243], %add3A_250 masked %and3A_254 : memref<128xi32, #tpu.memory_space<vmem>>[vector<16xi32>], vector<16xi32>, vector<16xi1>
        %all_reduce_population_count3A_255 = tpu.all_reduce %ge3A_231 {dim = 0 : i64, kind = #tpu.reduction_kind<sum>} : vector<16xi1> -> vector<16xi32>
        %add3A_256 = arith.addi %add3A_226, %all_reduce_population_count3A_255 : vector<16xi32>
        %get3A_257 = arith.index_cast %scan3A_54 : i32 to index
        %get3A_258 = arith.constant 112 : index
        %get3A_259 = tpu.vector_load %arg4[%get3A_257, %get3A_258] {strides = array<i32>} : memref<16x128xi32, #tpu.memory_space<vmem>>, vector<16xi32>,
        %ge3A_260 = vector.broadcast %scan3A_13#1 : i32 to vector<16xi32>
        %ge3A_261 = arith.cmpi sge, %get3A_259, %ge3A_260 : vector<16xi32>
        %jit3A_262 = arith.constant 1 : i32
        %jit3A_263 = arith.constant 0 : i32
        %broadcast_in_dim3A_264 = vector.broadcast %jit3A_262 : i32 to vector<16xi32>
        %broadcast_in_dim3A_265 = vector.broadcast %jit3A_263 : i32 to vector<16xi32>
        %select_n3A_266 = arith.select %ge3A_261, %broadcast_in_dim3A_264, %broadcast_in_dim3A_265 : vector<16xi1>, vector<16xi32>
        %broadcast_in_dim3A_267 = arith.constant true
        %broadcast_in_dim3A_268 = vector.broadcast %broadcast_in_dim3A_267 : i1 to vector<16xi1>
        %masked_cumsum3A_269 = tpu.scan <sum>, %select_n3A_266 masked %broadcast_in_dim3A_268 : vector<16xi32>, vector<16xi1> -> vector<16xi32>
        %add3A_270 = arith.addi %add3A_256, %masked_cumsum3A_269 : vector<16xi32>
        %sub3A_271 = arith.constant 1 : i32
        %sub3A_272 = vector.broadcast %sub3A_271 : i32 to vector<16xi32>
        %sub3A_273 = arith.subi %add3A_270, %sub3A_272 : vector<16xi32>
        %mul3A_274 = arith.constant 128 : i32
        %mul3A_275 = arith.muli %scan3A_54, %mul3A_274 : i32
        %add3A_276 = arith.constant 112 : i32
        %add3A_277 = arith.addi %mul3A_275, %add3A_276 : i32
        %iota3A_278 = tpu.iota {dimensions = array<i32: 0>} : vector<16xi32>
        %add3A_279 = vector.broadcast %add3A_277 : i32 to vector<16xi32>
        %add3A_280 = arith.addi %add3A_279, %iota3A_278 : vector<16xi32>
        %lt3A_281 = arith.constant 128 : i32
        %lt3A_282 = vector.broadcast %lt3A_281 : i32 to vector<16xi32>
        %lt3A_283 = arith.cmpi slt, %sub3A_273, %lt3A_282 : vector<16xi32>
        %and3A_284 = arith.andi %ge3A_261, %lt3A_283 : vector<16xi1>
        tpu.vector_store_idx %arg5[%sub3A_273], %add3A_280 masked %and3A_284 : memref<128xi32, #tpu.memory_space<vmem>>[vector<16xi32>], vector<16xi32>, vector<16xi1>
        %all_reduce_population_count3A_285 = tpu.all_reduce %ge3A_261 {dim = 0 : i64, kind = #tpu.reduction_kind<sum>} : vector<16xi1> -> vector<16xi32>
        %add3A_286 = arith.addi %add3A_256, %all_reduce_population_count3A_285 : vector<16xi32>
        scf.yield %add3A_286 : vector<16xi32>
      }
      %scan3A_53 = arith.constant 16 : i32
      "tpu.region"() ({
        %run_scoped3A = tpu.sem_alloc : memref<!tpu.dma_semaphore, #tpu.memory_space<semaphore_mem>>
        %dma_start3A = arith.constant 0 : i32
        %dma_start3A_54 = tpu.memref_slice %arg3[%add3A_2, %dma_start3A] : memref<32x128xi32, #tpu.memory_space<hbm>> -> memref<1x128xi32, #tpu.memory_space<hbm>>
        %dma_start3A_55 = tpu.memref_squeeze %dma_start3A_54 : memref<1x128xi32, #tpu.memory_space<hbm>> -> memref<128xi32, #tpu.memory_space<hbm>>
        %dma_start3A_56 = arith.constant 0 : i32
        %dma_start3A_57 = tpu.memref_slice %arg3[%add3A_2, %dma_start3A_56] : memref<32x128xi32, #tpu.memory_space<hbm>> -> memref<1x128xi32, #tpu.memory_space<hbm>>
        %dma_start3A_58 = tpu.memref_squeeze %dma_start3A_57 : memref<1x128xi32, #tpu.memory_space<hbm>> -> memref<128xi32, #tpu.memory_space<hbm>>
        tpu.enqueue_dma source(%arg5 : memref<128xi32, #tpu.memory_space<vmem>>) target(%dma_start3A_58 : memref<128xi32, #tpu.memory_space<hbm>>) target_semaphore(%run_scoped3A : memref<!tpu.dma_semaphore, #tpu.memory_space<semaphore_mem>>)
        %dma_wait3A = arith.constant 0 : i32
        %dma_wait3A_59 = tpu.memref_slice %arg3[%add3A_2, %dma_wait3A] : memref<32x128xi32, #tpu.memory_space<hbm>> -> memref<1x128xi32, #tpu.memory_space<hbm>>
        %dma_wait3A_60 = tpu.memref_squeeze %dma_wait3A_59 : memref<1x128xi32, #tpu.memory_space<hbm>> -> memref<128xi32, #tpu.memory_space<hbm>>
        %dma_wait3A_61 = arith.constant 0 : i32
        %dma_wait3A_62 = tpu.memref_slice %arg3[%add3A_2, %dma_wait3A_61] : memref<32x128xi32, #tpu.memory_space<hbm>> -> memref<1x128xi32, #tpu.memory_space<hbm>>
        %dma_wait3A_63 = tpu.memref_squeeze %dma_wait3A_62 : memref<1x128xi32, #tpu.memory_space<hbm>> -> memref<128xi32, #tpu.memory_space<hbm>>
        tpu.wait_dma2 semaphore(%run_scoped3A : memref<!tpu.dma_semaphore, #tpu.memory_space<semaphore_mem>>) src(%arg5 : memref<128xi32, #tpu.memory_space<vmem>>) dst(%dma_wait3A_63 : memref<128xi32, #tpu.memory_space<hbm>>)
        tpu.yield
      }) : () -> ()
    } else {
    }
    return
  }
}

module attributes {stable_mosaic.version = 14 : i64} {
  func.func @_score_body(%arg0: i32, %arg1: memref<8x64x2048xf32, #tpu.memory_space<vmem>>, %arg2: memref<128x128xi32, #tpu.memory_space<vmem>>) attributes {dimension_semantics = [#tpu.dimension_semantics<arbitrary>], iteration_bounds = array<i64: 4>, scalar_prefetch = 0 : i64, scratch_operands = 0 : i64, tpu.core_type = #tpu.core_type<tc>, window_params = [{transform_indices = @transform_0, window_bounds = array<i64: 8, 64, 2048>}, {transform_indices = @transform_1, window_bounds = array<i64: 128, 128>}]} {
    %get3A = arith.constant 0 : index
    %get3A_0 = arith.constant 0 : index
    %get3A_1 = arith.constant 0 : index
    %get3A_2 = vector.load %arg1[%get3A, %get3A_0, %get3A_1] : memref<8x64x2048xf32, #tpu.memory_space<vmem>>, vector<8x64x2048xf32>
    %mul3A = arith.mulf %get3A_2, %get3A_2 : vector<8x64x2048xf32>
    %reduce_sum3A = arith.constant dense<0.000000e+00> : vector<8x2048xf32>
    %reduce_sum3A_3 = vector.multi_reduction <add>, %mul3A, %reduce_sum3A [1] : vector<8x64x2048xf32> to vector<8x2048xf32>
    %bitcast_convert_type3A = tpu.bitcast %reduce_sum3A_3 : vector<8x2048xf32> -> vector<8x2048xi32>
    %reshape3A = vector.shape_cast %bitcast_convert_type3A : vector<8x2048xi32> to vector<128x128xi32>
    %swap3A = arith.constant 0 : index
    %swap3A_4 = arith.constant 0 : index
    %swap3A_5 = vector.load %arg2[%swap3A, %swap3A_4] : memref<128x128xi32, #tpu.memory_space<vmem>>, vector<128x128xi32>
    tpu.vector_store %arg2[%swap3A, %swap3A_4], %reshape3A {strides = array<i32>} : memref<128x128xi32, #tpu.memory_space<vmem>>, vector<128x128xi32>,
    return
  }
  func.func @transform_0(%arg0: i32) -> (i32, i32, i32) {
    %c0_i32 = arith.constant 0 : i32
    %c0_i32_0 = arith.constant 0 : i32
    %c0_i32_1 = arith.constant 0 : i32
    return %arg0, %c0_i32, %c0_i32_0 : i32, i32, i32
  }
  func.func @transform_1(%arg0: i32) -> (i32, i32) {
    %c0_i32 = arith.constant 0 : i32
    %c0_i32_0 = arith.constant 0 : i32
    return %arg0, %c0_i32 : i32, i32
  }
}

module attributes {stable_mosaic.version = 14 : i64} {
  func.func @_attn_body(%arg0: i32, %arg1: memref<4x64x2048xf32, #tpu.memory_space<vmem>>, %arg2: memref<4x64x2048xf32, #tpu.memory_space<vmem>>, %arg3: memref<4x64x2048xf32, #tpu.memory_space<vmem>>, %arg4: memref<32x128xi32, #tpu.memory_space<vmem>>, %arg5: memref<4x64x2048xf32, #tpu.memory_space<vmem>>) attributes {dimension_semantics = [#tpu.dimension_semantics<arbitrary>], iteration_bounds = array<i64: 8>, scalar_prefetch = 0 : i64, scratch_operands = 0 : i64, tpu.core_type = #tpu.core_type<tc>, window_params = [{transform_indices = @transform_0, window_bounds = array<i64: 4, 64, 2048>}, {transform_indices = @transform_1, window_bounds = array<i64: 4, 64, 2048>}, {transform_indices = @transform_2, window_bounds = array<i64: 4, 64, 2048>}, {pipeline_mode = #tpu.pipeline_mode<synchronous>, transform_indices = @transform_3, window_bounds = array<i64: 32, 128>}, {transform_indices = @transform_4, window_bounds = array<i64: 4, 64, 2048>}]} {
    %get3A = arith.constant 0 : index
    %get3A_0 = arith.constant 0 : index
    %get3A_1 = arith.constant 0 : index
    %get3A_2 = vector.load %arg1[%get3A, %get3A_0, %get3A_1] : memref<4x64x2048xf32, #tpu.memory_space<vmem>>, vector<1x64x2048xf32>
    %get3A_3 = vector.shape_cast %get3A_2 : vector<1x64x2048xf32> to vector<64x2048xf32>
    %get3A_4 = arith.constant 0 : index
    %get3A_5 = arith.constant 0 : index
    %get3A_6 = arith.constant 0 : index
    %get3A_7 = vector.load %arg2[%get3A_4, %get3A_5, %get3A_6] : memref<4x64x2048xf32, #tpu.memory_space<vmem>>, vector<1x64x2048xf32>
    %get3A_8 = vector.shape_cast %get3A_7 : vector<1x64x2048xf32> to vector<64x2048xf32>
    %get3A_9 = arith.constant 0 : index
    %get3A_10 = arith.constant 0 : index
    %get3A_11 = arith.constant 0 : index
    %get3A_12 = vector.load %arg3[%get3A_9, %get3A_10, %get3A_11] : memref<4x64x2048xf32, #tpu.memory_space<vmem>>, vector<1x64x2048xf32>
    %get3A_13 = vector.shape_cast %get3A_12 : vector<1x64x2048xf32> to vector<64x2048xf32>
    %mul3A = arith.constant 4 : i32
    %mul3A_14 = arith.muli %arg0, %mul3A : i32
    %add3A = arith.constant 0 : i32
    %add3A_15 = arith.addi %mul3A_14, %add3A : i32
    %get3A_16 = arith.index_cast %add3A_15 : i32 to index
    %get3A_17 = arith.constant 0 : index
    %get3A_18 = vector.load %arg4[%get3A_16, %get3A_17] : memref<32x128xi32, #tpu.memory_space<vmem>>, vector<1x128xi32>
    %iota3A = tpu.iota {dimensions = array<i32: 0>} : vector<2048x128xi32>
    %eq3A = vector.broadcast %get3A_18 : vector<1x128xi32> to vector<2048x128xi32>
    %eq3A_19 = arith.cmpi eq, %iota3A, %eq3A : vector<2048x128xi32>
    %convert_element_type3A = arith.extui %eq3A_19 : vector<2048x128xi1> to vector<2048x128xi32>
    %convert_element_type3A_20 = arith.sitofp %convert_element_type3A : vector<2048x128xi32> to vector<2048x128xf32>
    %dot_general3A = arith.constant dense<0.000000e+00> : vector<64x128xf32>
    %dot_general3A_21 = tpu.matmul %get3A_3, %convert_element_type3A_20, %dot_general3A {dimension_numbers = #tpu.dot_dimension_numbers<[1], [0], [0], [1], [0, 0, 1, 1], [], []>, transpose_lhs_hint = false} : vector<64x2048xf32>, vector<2048x128xf32>, vector<64x128xf32> -> vector<64x128xf32>
    %dot_general3A_22 = arith.constant dense<0.000000e+00> : vector<2048x128xf32>
    %dot_general3A_23 = tpu.matmul %get3A_8, %dot_general3A_21, %dot_general3A_22 {dimension_numbers = #tpu.dot_dimension_numbers<[0], [0], [1], [1], [0, 1, 1, 1], [], []>, transpose_lhs_hint = false} : vector<64x2048xf32>, vector<64x128xf32>, vector<2048x128xf32> -> vector<2048x128xf32>
    %mul3A_24 = arith.constant 1.250000e-01 : f32
    %mul3A_25 = vector.broadcast %mul3A_24 : f32 to vector<2048x128xf32>
    %mul3A_26 = arith.mulf %dot_general3A_23, %mul3A_25 : vector<2048x128xf32>
    %reduce_max3A = arith.constant dense<0xFF800000> : vector<128xf32>
    %reduce_max3A_27 = vector.multi_reduction <maximumf>, %mul3A_26, %reduce_max3A [0] : vector<2048x128xf32> to vector<128xf32>
    %broadcast_in_dim3A = vector.shape_cast %reduce_max3A_27 : vector<128xf32> to vector<1x128xf32>
    %sub3A = vector.broadcast %broadcast_in_dim3A : vector<1x128xf32> to vector<2048x128xf32>
    %sub3A_28 = arith.subf %mul3A_26, %sub3A : vector<2048x128xf32>
    %exp3A = math.exp %sub3A_28 : vector<2048x128xf32>
    %broadcast_in_dim3A_29 = arith.constant 1.000000e+00 : f32
    %broadcast_in_dim3A_30 = vector.broadcast %broadcast_in_dim3A_29 : f32 to vector<1x2048xf32>
    %dot_general3A_31 = arith.constant dense<0.000000e+00> : vector<1x128xf32>
    %dot_general3A_32 = tpu.matmul %broadcast_in_dim3A_30, %exp3A, %dot_general3A_31 {dimension_numbers = #tpu.dot_dimension_numbers<[1], [0], [0], [1], [0, 0, 1, 1], [], []>, transpose_lhs_hint = false} : vector<1x2048xf32>, vector<2048x128xf32>, vector<1x128xf32> -> vector<1x128xf32>
    %dot_general3A_33 = arith.constant dense<0.000000e+00> : vector<64x128xf32>
    %dot_general3A_34 = tpu.matmul %get3A_13, %exp3A, %dot_general3A_33 {dimension_numbers = #tpu.dot_dimension_numbers<[1], [0], [0], [1], [0, 0, 1, 1], [], []>, transpose_lhs_hint = false} : vector<64x2048xf32>, vector<2048x128xf32>, vector<64x128xf32> -> vector<64x128xf32>
    %div3A = vector.broadcast %dot_general3A_32 : vector<1x128xf32> to vector<64x128xf32>
    %div3A_35 = arith.divf %dot_general3A_34, %div3A : vector<64x128xf32>
    %reduce_sum3A = arith.constant dense<0.000000e+00> : vector<64xf32>
    %reduce_sum3A_36 = vector.multi_reduction <add>, %get3A_13, %reduce_sum3A [1] : vector<64x2048xf32> to vector<64xf32>
    %broadcast_in_dim3A_37 = vector.shape_cast %reduce_sum3A_36 : vector<64xf32> to vector<64x1xf32>
    %div3A_38 = arith.constant 2.048000e+03 : f32
    %div3A_39 = vector.broadcast %div3A_38 : f32 to vector<64x1xf32>
    %div3A_40 = arith.divf %broadcast_in_dim3A_37, %div3A_39 : vector<64x1xf32>
    %sub3A_41 = vector.broadcast %div3A_40 : vector<64x1xf32> to vector<64x128xf32>
    %sub3A_42 = arith.subf %div3A_35, %sub3A_41 : vector<64x128xf32>
    %dot_general3A_43 = arith.constant dense<0.000000e+00> : vector<64x2048xf32>
    %dot_general3A_44 = tpu.matmul %sub3A_42, %convert_element_type3A_20, %dot_general3A_43 {dimension_numbers = #tpu.dot_dimension_numbers<[1], [1], [0], [0], [0, 0, 1, 0], [], []>, transpose_lhs_hint = false} : vector<64x128xf32>, vector<2048x128xf32>, vector<64x2048xf32> -> vector<64x2048xf32>
    %add3A_45 = vector.broadcast %div3A_40 : vector<64x1xf32> to vector<64x2048xf32>
    %add3A_46 = arith.addf %add3A_45, %dot_general3A_44 : vector<64x2048xf32>
    %swap3A = arith.constant 0 : index
    %swap3A_47 = arith.constant 0 : index
    %swap3A_48 = arith.constant 0 : index
    %swap3A_49 = vector.load %arg5[%swap3A, %swap3A_47, %swap3A_48] : memref<4x64x2048xf32, #tpu.memory_space<vmem>>, vector<1x64x2048xf32>
    %swap3A_50 = vector.shape_cast %swap3A_49 : vector<1x64x2048xf32> to vector<64x2048xf32>
    %swap3A_51 = vector.shape_cast %add3A_46 : vector<64x2048xf32> to vector<1x64x2048xf32>
    tpu.vector_store %arg5[%swap3A, %swap3A_47, %swap3A_48], %swap3A_51 {strides = array<i32>} : memref<4x64x2048xf32, #tpu.memory_space<vmem>>, vector<1x64x2048xf32>,
    %get3A_52 = arith.constant 1 : index
    %get3A_53 = arith.constant 0 : index
    %get3A_54 = arith.constant 0 : index
    %get3A_55 = vector.load %arg1[%get3A_52, %get3A_53, %get3A_54] : memref<4x64x2048xf32, #tpu.memory_space<vmem>>, vector<1x64x2048xf32>
    %get3A_56 = vector.shape_cast %get3A_55 : vector<1x64x2048xf32> to vector<64x2048xf32>
    %get3A_57 = arith.constant 1 : index
    %get3A_58 = arith.constant 0 : index
    %get3A_59 = arith.constant 0 : index
    %get3A_60 = vector.load %arg2[%get3A_57, %get3A_58, %get3A_59] : memref<4x64x2048xf32, #tpu.memory_space<vmem>>, vector<1x64x2048xf32>
    %get3A_61 = vector.shape_cast %get3A_60 : vector<1x64x2048xf32> to vector<64x2048xf32>
    %get3A_62 = arith.constant 1 : index
    %get3A_63 = arith.constant 0 : index
    %get3A_64 = arith.constant 0 : index
    %get3A_65 = vector.load %arg3[%get3A_62, %get3A_63, %get3A_64] : memref<4x64x2048xf32, #tpu.memory_space<vmem>>, vector<1x64x2048xf32>
    %get3A_66 = vector.shape_cast %get3A_65 : vector<1x64x2048xf32> to vector<64x2048xf32>
    %mul3A_67 = arith.constant 4 : i32
    %mul3A_68 = arith.muli %arg0, %mul3A_67 : i32
    %add3A_69 = arith.constant 1 : i32
    %add3A_70 = arith.addi %mul3A_68, %add3A_69 : i32
    %get3A_71 = arith.index_cast %add3A_70 : i32 to index
    %get3A_72 = arith.constant 0 : index
    %get3A_73 = vector.load %arg4[%get3A_71, %get3A_72] : memref<32x128xi32, #tpu.memory_space<vmem>>, vector<1x128xi32>
    %iota3A_74 = tpu.iota {dimensions = array<i32: 0>} : vector<2048x128xi32>
    %eq3A_75 = vector.broadcast %get3A_73 : vector<1x128xi32> to vector<2048x128xi32>
    %eq3A_76 = arith.cmpi eq, %iota3A_74, %eq3A_75 : vector<2048x128xi32>
    %convert_element_type3A_77 = arith.extui %eq3A_76 : vector<2048x128xi1> to vector<2048x128xi32>
    %convert_element_type3A_78 = arith.sitofp %convert_element_type3A_77 : vector<2048x128xi32> to vector<2048x128xf32>
    %dot_general3A_79 = arith.constant dense<0.000000e+00> : vector<64x128xf32>
    %dot_general3A_80 = tpu.matmul %get3A_56, %convert_element_type3A_78, %dot_general3A_79 {dimension_numbers = #tpu.dot_dimension_numbers<[1], [0], [0], [1], [0, 0, 1, 1], [], []>, transpose_lhs_hint = false} : vector<64x2048xf32>, vector<2048x128xf32>, vector<64x128xf32> -> vector<64x128xf32>
    %dot_general3A_81 = arith.constant dense<0.000000e+00> : vector<2048x128xf32>
    %dot_general3A_82 = tpu.matmul %get3A_61, %dot_general3A_80, %dot_general3A_81 {dimension_numbers = #tpu.dot_dimension_numbers<[0], [0], [1], [1], [0, 1, 1, 1], [], []>, transpose_lhs_hint = false} : vector<64x2048xf32>, vector<64x128xf32>, vector<2048x128xf32> -> vector<2048x128xf32>
    %mul3A_83 = arith.constant 1.250000e-01 : f32
    %mul3A_84 = vector.broadcast %mul3A_83 : f32 to vector<2048x128xf32>
    %mul3A_85 = arith.mulf %dot_general3A_82, %mul3A_84 : vector<2048x128xf32>
    %reduce_max3A_86 = arith.constant dense<0xFF800000> : vector<128xf32>
    %reduce_max3A_87 = vector.multi_reduction <maximumf>, %mul3A_85, %reduce_max3A_86 [0] : vector<2048x128xf32> to vector<128xf32>
    %broadcast_in_dim3A_88 = vector.shape_cast %reduce_max3A_87 : vector<128xf32> to vector<1x128xf32>
    %sub3A_89 = vector.broadcast %broadcast_in_dim3A_88 : vector<1x128xf32> to vector<2048x128xf32>
    %sub3A_90 = arith.subf %mul3A_85, %sub3A_89 : vector<2048x128xf32>
    %exp3A_91 = math.exp %sub3A_90 : vector<2048x128xf32>
    %broadcast_in_dim3A_92 = arith.constant 1.000000e+00 : f32
    %broadcast_in_dim3A_93 = vector.broadcast %broadcast_in_dim3A_92 : f32 to vector<1x2048xf32>
    %dot_general3A_94 = arith.constant dense<0.000000e+00> : vector<1x128xf32>
    %dot_general3A_95 = tpu.matmul %broadcast_in_dim3A_93, %exp3A_91, %dot_general3A_94 {dimension_numbers = #tpu.dot_dimension_numbers<[1], [0], [0], [1], [0, 0, 1, 1], [], []>, transpose_lhs_hint = false} : vector<1x2048xf32>, vector<2048x128xf32>, vector<1x128xf32> -> vector<1x128xf32>
    %dot_general3A_96 = arith.constant dense<0.000000e+00> : vector<64x128xf32>
    %dot_general3A_97 = tpu.matmul %get3A_66, %exp3A_91, %dot_general3A_96 {dimension_numbers = #tpu.dot_dimension_numbers<[1], [0], [0], [1], [0, 0, 1, 1], [], []>, transpose_lhs_hint = false} : vector<64x2048xf32>, vector<2048x128xf32>, vector<64x128xf32> -> vector<64x128xf32>
    %div3A_98 = vector.broadcast %dot_general3A_95 : vector<1x128xf32> to vector<64x128xf32>
    %div3A_99 = arith.divf %dot_general3A_97, %div3A_98 : vector<64x128xf32>
    %reduce_sum3A_100 = arith.constant dense<0.000000e+00> : vector<64xf32>
    %reduce_sum3A_101 = vector.multi_reduction <add>, %get3A_66, %reduce_sum3A_100 [1] : vector<64x2048xf32> to vector<64xf32>
    %broadcast_in_dim3A_102 = vector.shape_cast %reduce_sum3A_101 : vector<64xf32> to vector<64x1xf32>
    %div3A_103 = arith.constant 2.048000e+03 : f32
    %div3A_104 = vector.broadcast %div3A_103 : f32 to vector<64x1xf32>
    %div3A_105 = arith.divf %broadcast_in_dim3A_102, %div3A_104 : vector<64x1xf32>
    %sub3A_106 = vector.broadcast %div3A_105 : vector<64x1xf32> to vector<64x128xf32>
    %sub3A_107 = arith.subf %div3A_99, %sub3A_106 : vector<64x128xf32>
    %dot_general3A_108 = arith.constant dense<0.000000e+00> : vector<64x2048xf32>
    %dot_general3A_109 = tpu.matmul %sub3A_107, %convert_element_type3A_78, %dot_general3A_108 {dimension_numbers = #tpu.dot_dimension_numbers<[1], [1], [0], [0], [0, 0, 1, 0], [], []>, transpose_lhs_hint = false} : vector<64x128xf32>, vector<2048x128xf32>, vector<64x2048xf32> -> vector<64x2048xf32>
    %add3A_110 = vector.broadcast %div3A_105 : vector<64x1xf32> to vector<64x2048xf32>
    %add3A_111 = arith.addf %add3A_110, %dot_general3A_109 : vector<64x2048xf32>
    %swap3A_112 = arith.constant 1 : index
    %swap3A_113 = arith.constant 0 : index
    %swap3A_114 = arith.constant 0 : index
    %swap3A_115 = vector.load %arg5[%swap3A_112, %swap3A_113, %swap3A_114] : memref<4x64x2048xf32, #tpu.memory_space<vmem>>, vector<1x64x2048xf32>
    %swap3A_116 = vector.shape_cast %swap3A_115 : vector<1x64x2048xf32> to vector<64x2048xf32>
    %swap3A_117 = vector.shape_cast %add3A_111 : vector<64x2048xf32> to vector<1x64x2048xf32>
    tpu.vector_store %arg5[%swap3A_112, %swap3A_113, %swap3A_114], %swap3A_117 {strides = array<i32>} : memref<4x64x2048xf32, #tpu.memory_space<vmem>>, vector<1x64x2048xf32>,
    %get3A_118 = arith.constant 2 : index
    %get3A_119 = arith.constant 0 : index
    %get3A_120 = arith.constant 0 : index
    %get3A_121 = vector.load %arg1[%get3A_118, %get3A_119, %get3A_120] : memref<4x64x2048xf32, #tpu.memory_space<vmem>>, vector<1x64x2048xf32>
    %get3A_122 = vector.shape_cast %get3A_121 : vector<1x64x2048xf32> to vector<64x2048xf32>
    %get3A_123 = arith.constant 2 : index
    %get3A_124 = arith.constant 0 : index
    %get3A_125 = arith.constant 0 : index
    %get3A_126 = vector.load %arg2[%get3A_123, %get3A_124, %get3A_125] : memref<4x64x2048xf32, #tpu.memory_space<vmem>>, vector<1x64x2048xf32>
    %get3A_127 = vector.shape_cast %get3A_126 : vector<1x64x2048xf32> to vector<64x2048xf32>
    %get3A_128 = arith.constant 2 : index
    %get3A_129 = arith.constant 0 : index
    %get3A_130 = arith.constant 0 : index
    %get3A_131 = vector.load %arg3[%get3A_128, %get3A_129, %get3A_130] : memref<4x64x2048xf32, #tpu.memory_space<vmem>>, vector<1x64x2048xf32>
    %get3A_132 = vector.shape_cast %get3A_131 : vector<1x64x2048xf32> to vector<64x2048xf32>
    %mul3A_133 = arith.constant 4 : i32
    %mul3A_134 = arith.muli %arg0, %mul3A_133 : i32
    %add3A_135 = arith.constant 2 : i32
    %add3A_136 = arith.addi %mul3A_134, %add3A_135 : i32
    %get3A_137 = arith.index_cast %add3A_136 : i32 to index
    %get3A_138 = arith.constant 0 : index
    %get3A_139 = vector.load %arg4[%get3A_137, %get3A_138] : memref<32x128xi32, #tpu.memory_space<vmem>>, vector<1x128xi32>
    %iota3A_140 = tpu.iota {dimensions = array<i32: 0>} : vector<2048x128xi32>
    %eq3A_141 = vector.broadcast %get3A_139 : vector<1x128xi32> to vector<2048x128xi32>
    %eq3A_142 = arith.cmpi eq, %iota3A_140, %eq3A_141 : vector<2048x128xi32>
    %convert_element_type3A_143 = arith.extui %eq3A_142 : vector<2048x128xi1> to vector<2048x128xi32>
    %convert_element_type3A_144 = arith.sitofp %convert_element_type3A_143 : vector<2048x128xi32> to vector<2048x128xf32>
    %dot_general3A_145 = arith.constant dense<0.000000e+00> : vector<64x128xf32>
    %dot_general3A_146 = tpu.matmul %get3A_122, %convert_element_type3A_144, %dot_general3A_145 {dimension_numbers = #tpu.dot_dimension_numbers<[1], [0], [0], [1], [0, 0, 1, 1], [], []>, transpose_lhs_hint = false} : vector<64x2048xf32>, vector<2048x128xf32>, vector<64x128xf32> -> vector<64x128xf32>
    %dot_general3A_147 = arith.constant dense<0.000000e+00> : vector<2048x128xf32>
    %dot_general3A_148 = tpu.matmul %get3A_127, %dot_general3A_146, %dot_general3A_147 {dimension_numbers = #tpu.dot_dimension_numbers<[0], [0], [1], [1], [0, 1, 1, 1], [], []>, transpose_lhs_hint = false} : vector<64x2048xf32>, vector<64x128xf32>, vector<2048x128xf32> -> vector<2048x128xf32>
    %mul3A_149 = arith.constant 1.250000e-01 : f32
    %mul3A_150 = vector.broadcast %mul3A_149 : f32 to vector<2048x128xf32>
    %mul3A_151 = arith.mulf %dot_general3A_148, %mul3A_150 : vector<2048x128xf32>
    %reduce_max3A_152 = arith.constant dense<0xFF800000> : vector<128xf32>
    %reduce_max3A_153 = vector.multi_reduction <maximumf>, %mul3A_151, %reduce_max3A_152 [0] : vector<2048x128xf32> to vector<128xf32>
    %broadcast_in_dim3A_154 = vector.shape_cast %reduce_max3A_153 : vector<128xf32> to vector<1x128xf32>
    %sub3A_155 = vector.broadcast %broadcast_in_dim3A_154 : vector<1x128xf32> to vector<2048x128xf32>
    %sub3A_156 = arith.subf %mul3A_151, %sub3A_155 : vector<2048x128xf32>
    %exp3A_157 = math.exp %sub3A_156 : vector<2048x128xf32>
    %broadcast_in_dim3A_158 = arith.constant 1.000000e+00 : f32
    %broadcast_in_dim3A_159 = vector.broadcast %broadcast_in_dim3A_158 : f32 to vector<1x2048xf32>
    %dot_general3A_160 = arith.constant dense<0.000000e+00> : vector<1x128xf32>
    %dot_general3A_161 = tpu.matmul %broadcast_in_dim3A_159, %exp3A_157, %dot_general3A_160 {dimension_numbers = #tpu.dot_dimension_numbers<[1], [0], [0], [1], [0, 0, 1, 1], [], []>, transpose_lhs_hint = false} : vector<1x2048xf32>, vector<2048x128xf32>, vector<1x128xf32> -> vector<1x128xf32>
    %dot_general3A_162 = arith.constant dense<0.000000e+00> : vector<64x128xf32>
    %dot_general3A_163 = tpu.matmul %get3A_132, %exp3A_157, %dot_general3A_162 {dimension_numbers = #tpu.dot_dimension_numbers<[1], [0], [0], [1], [0, 0, 1, 1], [], []>, transpose_lhs_hint = false} : vector<64x2048xf32>, vector<2048x128xf32>, vector<64x128xf32> -> vector<64x128xf32>
    %div3A_164 = vector.broadcast %dot_general3A_161 : vector<1x128xf32> to vector<64x128xf32>
    %div3A_165 = arith.divf %dot_general3A_163, %div3A_164 : vector<64x128xf32>
    %reduce_sum3A_166 = arith.constant dense<0.000000e+00> : vector<64xf32>
    %reduce_sum3A_167 = vector.multi_reduction <add>, %get3A_132, %reduce_sum3A_166 [1] : vector<64x2048xf32> to vector<64xf32>
    %broadcast_in_dim3A_168 = vector.shape_cast %reduce_sum3A_167 : vector<64xf32> to vector<64x1xf32>
    %div3A_169 = arith.constant 2.048000e+03 : f32
    %div3A_170 = vector.broadcast %div3A_169 : f32 to vector<64x1xf32>
    %div3A_171 = arith.divf %broadcast_in_dim3A_168, %div3A_170 : vector<64x1xf32>
    %sub3A_172 = vector.broadcast %div3A_171 : vector<64x1xf32> to vector<64x128xf32>
    %sub3A_173 = arith.subf %div3A_165, %sub3A_172 : vector<64x128xf32>
    %dot_general3A_174 = arith.constant dense<0.000000e+00> : vector<64x2048xf32>
    %dot_general3A_175 = tpu.matmul %sub3A_173, %convert_element_type3A_144, %dot_general3A_174 {dimension_numbers = #tpu.dot_dimension_numbers<[1], [1], [0], [0], [0, 0, 1, 0], [], []>, transpose_lhs_hint = false} : vector<64x128xf32>, vector<2048x128xf32>, vector<64x2048xf32> -> vector<64x2048xf32>
    %add3A_176 = vector.broadcast %div3A_171 : vector<64x1xf32> to vector<64x2048xf32>
    %add3A_177 = arith.addf %add3A_176, %dot_general3A_175 : vector<64x2048xf32>
    %swap3A_178 = arith.constant 2 : index
    %swap3A_179 = arith.constant 0 : index
    %swap3A_180 = arith.constant 0 : index
    %swap3A_181 = vector.load %arg5[%swap3A_178, %swap3A_179, %swap3A_180] : memref<4x64x2048xf32, #tpu.memory_space<vmem>>, vector<1x64x2048xf32>
    %swap3A_182 = vector.shape_cast %swap3A_181 : vector<1x64x2048xf32> to vector<64x2048xf32>
    %swap3A_183 = vector.shape_cast %add3A_177 : vector<64x2048xf32> to vector<1x64x2048xf32>
    tpu.vector_store %arg5[%swap3A_178, %swap3A_179, %swap3A_180], %swap3A_183 {strides = array<i32>} : memref<4x64x2048xf32, #tpu.memory_space<vmem>>, vector<1x64x2048xf32>,
    %get3A_184 = arith.constant 3 : index
    %get3A_185 = arith.constant 0 : index
    %get3A_186 = arith.constant 0 : index
    %get3A_187 = vector.load %arg1[%get3A_184, %get3A_185, %get3A_186] : memref<4x64x2048xf32, #tpu.memory_space<vmem>>, vector<1x64x2048xf32>
    %get3A_188 = vector.shape_cast %get3A_187 : vector<1x64x2048xf32> to vector<64x2048xf32>
    %get3A_189 = arith.constant 3 : index
    %get3A_190 = arith.constant 0 : index
    %get3A_191 = arith.constant 0 : index
    %get3A_192 = vector.load %arg2[%get3A_189, %get3A_190, %get3A_191] : memref<4x64x2048xf32, #tpu.memory_space<vmem>>, vector<1x64x2048xf32>
    %get3A_193 = vector.shape_cast %get3A_192 : vector<1x64x2048xf32> to vector<64x2048xf32>
    %get3A_194 = arith.constant 3 : index
    %get3A_195 = arith.constant 0 : index
    %get3A_196 = arith.constant 0 : index
    %get3A_197 = vector.load %arg3[%get3A_194, %get3A_195, %get3A_196] : memref<4x64x2048xf32, #tpu.memory_space<vmem>>, vector<1x64x2048xf32>
    %get3A_198 = vector.shape_cast %get3A_197 : vector<1x64x2048xf32> to vector<64x2048xf32>
    %mul3A_199 = arith.constant 4 : i32
    %mul3A_200 = arith.muli %arg0, %mul3A_199 : i32
    %add3A_201 = arith.constant 3 : i32
    %add3A_202 = arith.addi %mul3A_200, %add3A_201 : i32
    %get3A_203 = arith.index_cast %add3A_202 : i32 to index
    %get3A_204 = arith.constant 0 : index
    %get3A_205 = vector.load %arg4[%get3A_203, %get3A_204] : memref<32x128xi32, #tpu.memory_space<vmem>>, vector<1x128xi32>
    %iota3A_206 = tpu.iota {dimensions = array<i32: 0>} : vector<2048x128xi32>
    %eq3A_207 = vector.broadcast %get3A_205 : vector<1x128xi32> to vector<2048x128xi32>
    %eq3A_208 = arith.cmpi eq, %iota3A_206, %eq3A_207 : vector<2048x128xi32>
    %convert_element_type3A_209 = arith.extui %eq3A_208 : vector<2048x128xi1> to vector<2048x128xi32>
    %convert_element_type3A_210 = arith.sitofp %convert_element_type3A_209 : vector<2048x128xi32> to vector<2048x128xf32>
    %dot_general3A_211 = arith.constant dense<0.000000e+00> : vector<64x128xf32>
    %dot_general3A_212 = tpu.matmul %get3A_188, %convert_element_type3A_210, %dot_general3A_211 {dimension_numbers = #tpu.dot_dimension_numbers<[1], [0], [0], [1], [0, 0, 1, 1], [], []>, transpose_lhs_hint = false} : vector<64x2048xf32>, vector<2048x128xf32>, vector<64x128xf32> -> vector<64x128xf32>
    %dot_general3A_213 = arith.constant dense<0.000000e+00> : vector<2048x128xf32>
    %dot_general3A_214 = tpu.matmul %get3A_193, %dot_general3A_212, %dot_general3A_213 {dimension_numbers = #tpu.dot_dimension_numbers<[0], [0], [1], [1], [0, 1, 1, 1], [], []>, transpose_lhs_hint = false} : vector<64x2048xf32>, vector<64x128xf32>, vector<2048x128xf32> -> vector<2048x128xf32>
    %mul3A_215 = arith.constant 1.250000e-01 : f32
    %mul3A_216 = vector.broadcast %mul3A_215 : f32 to vector<2048x128xf32>
    %mul3A_217 = arith.mulf %dot_general3A_214, %mul3A_216 : vector<2048x128xf32>
    %reduce_max3A_218 = arith.constant dense<0xFF800000> : vector<128xf32>
    %reduce_max3A_219 = vector.multi_reduction <maximumf>, %mul3A_217, %reduce_max3A_218 [0] : vector<2048x128xf32> to vector<128xf32>
    %broadcast_in_dim3A_220 = vector.shape_cast %reduce_max3A_219 : vector<128xf32> to vector<1x128xf32>
    %sub3A_221 = vector.broadcast %broadcast_in_dim3A_220 : vector<1x128xf32> to vector<2048x128xf32>
    %sub3A_222 = arith.subf %mul3A_217, %sub3A_221 : vector<2048x128xf32>
    %exp3A_223 = math.exp %sub3A_222 : vector<2048x128xf32>
    %broadcast_in_dim3A_224 = arith.constant 1.000000e+00 : f32
    %broadcast_in_dim3A_225 = vector.broadcast %broadcast_in_dim3A_224 : f32 to vector<1x2048xf32>
    %dot_general3A_226 = arith.constant dense<0.000000e+00> : vector<1x128xf32>
    %dot_general3A_227 = tpu.matmul %broadcast_in_dim3A_225, %exp3A_223, %dot_general3A_226 {dimension_numbers = #tpu.dot_dimension_numbers<[1], [0], [0], [1], [0, 0, 1, 1], [], []>, transpose_lhs_hint = false} : vector<1x2048xf32>, vector<2048x128xf32>, vector<1x128xf32> -> vector<1x128xf32>
    %dot_general3A_228 = arith.constant dense<0.000000e+00> : vector<64x128xf32>
    %dot_general3A_229 = tpu.matmul %get3A_198, %exp3A_223, %dot_general3A_228 {dimension_numbers = #tpu.dot_dimension_numbers<[1], [0], [0], [1], [0, 0, 1, 1], [], []>, transpose_lhs_hint = false} : vector<64x2048xf32>, vector<2048x128xf32>, vector<64x128xf32> -> vector<64x128xf32>
    %div3A_230 = vector.broadcast %dot_general3A_227 : vector<1x128xf32> to vector<64x128xf32>
    %div3A_231 = arith.divf %dot_general3A_229, %div3A_230 : vector<64x128xf32>
    %reduce_sum3A_232 = arith.constant dense<0.000000e+00> : vector<64xf32>
    %reduce_sum3A_233 = vector.multi_reduction <add>, %get3A_198, %reduce_sum3A_232 [1] : vector<64x2048xf32> to vector<64xf32>
    %broadcast_in_dim3A_234 = vector.shape_cast %reduce_sum3A_233 : vector<64xf32> to vector<64x1xf32>
    %div3A_235 = arith.constant 2.048000e+03 : f32
    %div3A_236 = vector.broadcast %div3A_235 : f32 to vector<64x1xf32>
    %div3A_237 = arith.divf %broadcast_in_dim3A_234, %div3A_236 : vector<64x1xf32>
    %sub3A_238 = vector.broadcast %div3A_237 : vector<64x1xf32> to vector<64x128xf32>
    %sub3A_239 = arith.subf %div3A_231, %sub3A_238 : vector<64x128xf32>
    %dot_general3A_240 = arith.constant dense<0.000000e+00> : vector<64x2048xf32>
    %dot_general3A_241 = tpu.matmul %sub3A_239, %convert_element_type3A_210, %dot_general3A_240 {dimension_numbers = #tpu.dot_dimension_numbers<[1], [1], [0], [0], [0, 0, 1, 0], [], []>, transpose_lhs_hint = false} : vector<64x128xf32>, vector<2048x128xf32>, vector<64x2048xf32> -> vector<64x2048xf32>
    %add3A_242 = vector.broadcast %div3A_237 : vector<64x1xf32> to vector<64x2048xf32>
    %add3A_243 = arith.addf %add3A_242, %dot_general3A_241 : vector<64x2048xf32>
    %swap3A_244 = arith.constant 3 : index
    %swap3A_245 = arith.constant 0 : index
    %swap3A_246 = arith.constant 0 : index
    %swap3A_247 = vector.load %arg5[%swap3A_244, %swap3A_245, %swap3A_246] : memref<4x64x2048xf32, #tpu.memory_space<vmem>>, vector<1x64x2048xf32>
    %swap3A_248 = vector.shape_cast %swap3A_247 : vector<1x64x2048xf32> to vector<64x2048xf32>
    %swap3A_249 = vector.shape_cast %add3A_243 : vector<64x2048xf32> to vector<1x64x2048xf32>
    tpu.vector_store %arg5[%swap3A_244, %swap3A_245, %swap3A_246], %swap3A_249 {strides = array<i32>} : memref<4x64x2048xf32, #tpu.memory_space<vmem>>, vector<1x64x2048xf32>,
    return
  }
  func.func @transform_0(%arg0: i32) -> (i32, i32, i32) {
    %c0_i32 = arith.constant 0 : i32
    %c0_i32_0 = arith.constant 0 : i32
    %c0_i32_1 = arith.constant 0 : i32
    return %arg0, %c0_i32, %c0_i32_0 : i32, i32, i32
  }
  func.func @transform_1(%arg0: i32) -> (i32, i32, i32) {
    %c0_i32 = arith.constant 0 : i32
    %c0_i32_0 = arith.constant 0 : i32
    %c0_i32_1 = arith.constant 0 : i32
    return %arg0, %c0_i32, %c0_i32_0 : i32, i32, i32
  }
  func.func @transform_2(%arg0: i32) -> (i32, i32, i32) {
    %c0_i32 = arith.constant 0 : i32
    %c0_i32_0 = arith.constant 0 : i32
    %c0_i32_1 = arith.constant 0 : i32
    return %arg0, %c0_i32, %c0_i32_0 : i32, i32, i32
  }
  func.func @transform_3(%arg0: i32) -> (i32, i32) {
    %c0_i32 = arith.constant 0 : i32
    %c0_i32_0 = arith.constant 0 : i32
    %c0_i32_1 = arith.constant 0 : i32
    return %c0_i32, %c0_i32_0 : i32, i32
  }
  func.func @transform_4(%arg0: i32) -> (i32, i32, i32) {
    %c0_i32 = arith.constant 0 : i32
    %c0_i32_0 = arith.constant 0 : i32
    %c0_i32_1 = arith.constant 0 : i32
    return %arg0, %c0_i32, %c0_i32_0 : i32, i32, i32
  }
}

</mosaic_0001>

<sc_bundles>
// kernel: kernel.5.cloned.1.call-start
scs
__scs_entry_jumppad:
0x0: {  	(pc) =	sbr.rel $0x88, $3  }
0x1: {  	(tag) =	ssettag $0x0;
	lr =	simm.s32 $0x1  }
0x2: {  	[smem:$0x3F9E] =	sst lr;
	_ =	strace $0xD0000000  }
0x3: {  	_ = 	snop  }
0x4: {  	_ = 	snop  }
0x5: {  	_ = 	snop  }
0x6: {  	_ = 	snop  }
0x7: {  	_ = 	snop  }
__scs_overlays_trampoline_lowered:
0x8: {  	[smem:$0x3FAD] =	sst s0  }
0x9: {  	[smem:$0x3FAE] =	sst s1  }
0xa: {  	[smem:$0x3FAF] =	sst s2  }
0xb: {  	[smem:$0x3FB0] =	sst s3  }
0xc: {  	[smem:$0x3FB1] =	sst s4  }
0xd: {  	[smem:$0x3FB2] =	sst s5  }
0xe: {  	[smem:$0x3FB3] =	sst s6  }
0xf: {  	[smem:$0x3FB4] =	sst s7  }
0x10: {  	[smem:$0x3FB5] =	sst s8  }
0x11: {  	[smem:$0x3FB6] =	sst s9;
	s0 =	simm.s32 @!p0 $0x0  }
0x12: {  	s1 =	sld [smem:$0x3F9C];
	s0 =	simm.s32 @p0 $0x1  }
0x13: {  	[smem:$0x3FB7] =	sst s0;
	s0 =	simm.s32 @!p1 $0x0  }
0x14: {  	s2 =	sld [smem:$0x3F9B];
	s0 =	simm.s32 @p1 $0x1  }
0x15: {  	[smem:$0x3FB8] =	sst s0;
	s0 =	simm.s32 @!p2 $0x0  }
0x16: {  	s3 =	sld [smem:$0x3FDB];
	s0 =	simm.s32 @p2 $0x1  }
0x17: {  	s4 =	simm.s32 $0x1BF5;
	[smem:$0x3FBA] =	sst s0  }
0x18: {  	s0 =	sld [smem:$0x3F9D];
	_ =	swait.ge [sflag:s4], $0x0  }
0x19: {  	s7 =	sld [smem:$0x3F9E]  }
0x1a: {  	s8 =	sadd.s32 $0xFFFFE003, lr  }
0x1b: {  	s9 =	sadd.s32 $0xFFFFFEF7, lr;
	s5 =	simm.s32 $0xFFFFFFFF;
	p2 =	slt.u32 s8, $0xFFFFF086  }
0x1c: {  	p1 =	slt.u32 s9, $0xF7A;
	s5 =	simm.s32 @!p2 $0x0  }
0x1d: {  	s5 =	simm.s32 @p1 $0x1;
	p0 =	seq.s32 s7, s2  }
0x1e: {  	s7 =	smul.u32 @!p0 $0xF7A, s2;
	p2 =	seq.s32 @!p0 s5, $0x0  }
0x1f: {  	s9 =	smul.u32 $0xF7A, s1;
	s8 =	simm.s32 @!p0 $0x1BF5;
	p2 =	por !p2, p0  }
0x20: {  	[sflag:s8] =	ssyncset.s32 @!p0 $0xFFFFF086;
	s6 =	sadd.s32 @!p0 s3, s7;
	s7 =	simm.s32 @!p0 $0x108  }
0x21: {  	s3 =	sadd.s32 s3, s9;
	s6 =	sadd.s32 @!p0 $0x88, s6;
	s7 =	simm.s32 @p2 $0x1082  }
0x22: {  	[simem:s7], [sflag:s8] =	dma.local @!p0 [hbm:s6], $0xF7A  }
0x23: {  	s9 =	sor.u32 $0xD0000000, s2;
	s6 =	simm.s32 $0x108;
	_ =	swait.ge @!p0 [sflag:s8], $0x0  }
0x24: {  	s3 =	sadd.s32 $0x88, s3;
	s6 =	simm.s32 @!p1 $0x1082;
	[sflag:s4] =	ssyncset.s32 $0xFFFFF086  }
0x25: {  	[simem:s6], [sflag:s4] =	dma.local [hbm:s3], $0xF7A  }
0x26: {  	[smem:$0x3F9E] =	sst s1;
	(tag) =	ssettag s2;
	_ =	strace s9  }
0x27: {  	s1 =	sld [smem:$0x3FAE]  }
0x28: {  	s2 =	sld [smem:$0x3FAF]  }
0x29: {  	s4 =	sld [smem:$0x3FB1]  }
0x2a: {  	p0 =	seq.s32 s5, $0x0;
	s5 =	sld [smem:$0x3FB2]  }
0x2b: {  	s6 =	sld [smem:$0x3FB3]  }
0x2c: {  	s7 =	sld [smem:$0x3FB4]  }
0x2d: {  	s3 =	simm.s32 $0x108;
	s8 =	sld [smem:$0x3FB5]  }
0x2e: {  	s3 =	simm.s32 @!p0 $0x1082;
	s9 =	sld [smem:$0x3FB6]  }
0x2f: {  	lr =	sadd.s32 s0, s3;
	s0 =	sld [smem:$0x3FAD]  }
0x30: {  	s3 =	sld [smem:$0x3FB0]  }
0x31: {  	[smem:$0x3FB9] =	sst s10  }
0x32: {  	s10 =	sld [smem:$0x3FB7];
	_ =	sdelay $0x3  }
0x33: {  	p0 =	seq.s32 s10, $0x1;
	s10 =	sld [smem:$0x3FB9];
	_ =	sdelay $0x3  }
0x34: {  	[smem:$0x3FB9] =	sst s10  }
0x35: {  	s10 =	sld [smem:$0x3FB8];
	_ =	sdelay $0x3  }
0x36: {  	p1 =	seq.s32 s10, $0x1;
	s10 =	sld [smem:$0x3FB9];
	_ =	sdelay $0x3  }
0x37: {  	[smem:$0x3FB9] =	sst s10  }
0x38: {  	s10 =	sld [smem:$0x3FBA]  }
0x39: {  	_ = 	snop;
	(pc) =	sbr.ind lr, $3  }
0x3a: {  	_ = 	snop  }
0x3b: {  	_ = 	snop  }
0x3c: {  	p2 =	seq.s32 s10, $0x1;
	s10 =	sld [smem:$0x3FB9]  }
0x3d: {  	_ =	shalt  }
0x3e: {  	_ =	shalt  }
0x3f: {  	_ =	shalt  }
0x40: {  	_ =	shalt  }
0x41: {  	_ =	shalt  }
0x42: {  	_ =	shalt  }
0x43: {  	_ =	shalt  }
0x44: {  	_ =	shalt  }
0x45: {  	_ =	shalt  }
0x46: {  	_ =	shalt  }
0x47: {  	_ =	shalt  }
0x48: {  	_ =	shalt  }
0x49: {  	_ =	shalt  }
0x4a: {  	_ =	shalt  }
0x4b: {  	_ =	shalt  }
0x4c: {  	_ =	shalt  }
0x4d: {  	_ =	shalt  }
0x4e: {  	_ =	shalt  }
0x4f: {  	_ =	shalt  }
0x50: {  	_ =	shalt  }
0x51: {  	_ =	shalt  }
0x52: {  	_ =	shalt  }
0x53: {  	_ =	shalt  }
0x54: {  	_ =	shalt  }
0x55: {  	_ =	shalt  }
0x56: {  	_ =	shalt  }
0x57: {  	_ =	shalt  }
0x58: {  	_ =	shalt  }
0x59: {  	_ =	shalt  }
0x5a: {  	_ =	shalt  }
0x5b: {  	_ =	shalt  }
0x5c: {  	_ =	shalt  }
0x5d: {  	_ =	shalt  }
0x5e: {  	_ =	shalt  }
0x5f: {  	_ =	shalt  }
0x60: {  	_ =	shalt  }
0x61: {  	_ =	shalt  }
0x62: {  	_ =	shalt  }
0x63: {  	_ =	shalt  }
0x64: {  	_ =	shalt  }
0x65: {  	_ =	shalt  }
0x66: {  	_ =	shalt  }
0x67: {  	_ =	shalt  }
0x68: {  	_ =	shalt  }
0x69: {  	_ =	shalt  }
0x6a: {  	_ =	shalt  }
0x6b: {  	_ =	shalt  }
0x6c: {  	_ =	shalt  }
0x6d: {  	_ =	shalt  }
0x6e: {  	_ =	shalt  }
0x6f: {  	_ =	shalt  }
0x70: {  	_ =	shalt  }
0x71: {  	_ =	shalt  }
0x72: {  	_ =	shalt  }
0x73: {  	_ =	shalt  }
0x74: {  	_ =	shalt  }
0x75: {  	_ =	shalt  }
0x76: {  	_ =	shalt  }
0x77: {  	_ =	shalt  }
0x78: {  	_ =	shalt  }
0x79: {  	_ =	shalt  }
0x7a: {  	_ =	shalt  }
0x7b: {  	_ =	shalt  }
0x7c: {  	_ =	shalt  }
0x7d: {  	_ =	shalt  }
0x7e: {  	_ =	shalt  }
0x7f: {  	_ =	shalt  }
0x80: {  	_ =	shalt  }
0x81: {  	_ =	shalt  }
0x82: {  	_ =	shalt  }
0x83: {  	_ =	shalt  }
0x84: {  	_ =	shalt  }
0x85: {  	_ =	shalt  }
0x86: {  	_ =	shalt  }
0x87: {  	_ =	shalt  }
.Lfunc_end0:
.L_simem_size_0:
called_computation_lowered:
.L_overlay_start_0:
0x88: {  	s2 =	sld [smem:$0x3FD9]  }
0x89: {  	s3 =	sld [smem:$0x3FFE];
	_ =	sdelay $0x1  }
0x8a: {  	s1 =	srdreg.scid  }
0x8b: {  	s0 =	sand.u32 $0x1, s1  }
0x8c: {  	s17 =	sshll.u32 s0, $0xA;
	s2 =	sadd.s32 s3, s2  }
0x8d: {  	s2 =	sadd.s32 s2, s17  }
0x8e: {  	[smem:$0x3FC5] =	sst s2  }
0x8f: {  	_ = 	snop  }
0x90: {  	s2 =	sld [smem:$0x3FD0];
	(tm) =	ssettm $0x1  }
0x91: {  	s18 =	sld [smem:$0x3FFB];
	_ =	sdelay $0x3  }
0x92: {  	_ =	strace s18  }
0x93: {  	s3 =	sld [smem:$0x3FFC];
	_ =	sdelay $0x3  }
0x94: {  	_ =	strace s3  }
0x95: {  	s3 =	sld [smem:$0x3FFD];
	_ =	sdelay $0x3  }
0x96: {  	_ =	strace s3  }
0x97: {  	_ =	strace $0x8FFFFFFF  }
0x98: {  	s19 =	sld [smem:$0x3FDB];
	_ =	sdelay $0x1  }
0x99: {  	s4 =	simm.s32 $_scs_section_size  }
0x9a: {  	s5 =	simm.s32 $_size__tile_overlayer_lowered;
	s6 =	simm.s32 $_tile_overlayer_lowered  }
0x9b: {  	s22 =	simm.s32 $0x1BFF;
	s21 =	sshll.u32 s6, $0x1;
	s3 =	sadd.s32 s4, s19  }
0x9c: {  	s7 =	simm.s32 $0x0;
	s20 =	sshll.u32 s5, $0x1;
	s5 =	sadd.s32 s21, s3  }
0x9d: {  	[timem:s7], [sflag:s22] =	dma.local [hbm:s5], s20  }
0x9e: {  	_ =	swait.ge [sflag:s22], s20  }
0x9f: {  	s4 =	ssub.s32 $0x0, s20;
	[sflag:s22] =	ssyncset.done $0x0  }
0xa0: {  	[sflag:s22] =	ssyncadd.s32 s4;
	_ =	sdelay $0x1  }
0xa1: {  	s23 =	simm.s32 $0x1B8B  }
0xa2: {  	_ =	swait.ge [sflag:s23], $0x1  }
0xa3: {  	[sflag:s23] =	ssyncset.done $0x0  }
0xa4: {  	s25 =	simm.s32 $0x1B8E;
	s24 =	sld [smem:$0x3FFE];
	[sflag:s23] =	ssyncadd.s32 $0xFFFFFFFF  }
0xa5: {  	s26 =	simm.s32 $execute0_lowered;
	[smem:$0x3FD2] =	sst s25  }
0xa6: {  	s5 =	sshll.u32 s26, $0x1;
	_ =	strace $0x80000046;
	[dreg:$0x1] =	wrdreg $0xFFFFFFFF  }
0xa7: {  	s28 =	simm.s32 $_size_execute0_lowered;
	s3 =	sadd.s32 s3, s5;
	[dreg:$0x0] =	wrdreg $0x0  }
0xa8: {  	s5 =	sshll.u32 s28, $0x1;
	[dreg:$0x2] =	wrdreg s3  }
0xa9: {  	[dreg:$0x3] =	wrdreg s5  }
0xaa: {  	[dreg:$0x4] =	wrdreg $0xC0  }
0xab: {  	_ =	task [dreg:s7], $0x5FFFF  }
0xac: {  	[dreg:$0x1] =	wrdreg $0xFFFFFFFF  }
0xad: {  	[dreg:$0x0] =	wrdreg $0x60  }
0xae: {  	[dreg:$0x2] =	wrdreg s2  }
0xaf: {  	[dreg:$0x3] =	wrdreg s24  }
0xb0: {  	[dreg:$0x4] =	wrdreg $0x9  }
0xb1: {  	_ =	task.clear_ibuf [dreg:s7], $0x5FFFF;
	_ =	strace $0x90000046  }
0xb2: {  	s29 =	simm.s32 $0x9;
	_ =	strace $0x80000048  }
0xb3: {  	_ =	swait.ge [sflag:s29], $0x1  }
0xb4: {  	[sflag:s29] =	ssyncadd.s32 $0xFFFFFFFF  }
0xb5: {  	_ =	strace $0x90000048  }
0xb6: {  	_ =	sfence  }
0xb7: {  	s30 =	sld [smem:$0x0];
	_ =	sdelay $0x2  }
0xb8: {  	s31 =	sshll.u32 s1, $0xD;
	s1 =	sshrl.u32 s1, $0x2  }
0xb9: {  	s3 =	sand.u32 $0x4000, s31;
	s1 =	sadd.s32 s1, s30  }
0xba: {  	s0 =	sor.u32 s3, s0;
	s1 =	sshll.u32 s1, $0x11  }
0xbb: {  	s0 =	sor.u32 s1, s0  }
0xbc: {  	s0 =	sadd.s32 $0x8F2B, s0  }
0xbd: {  	[sflag:s0] =	ssyncadd.remote.s32 $0x1  }
0xbe: {  	_ =	sfence.sel $0xFFFF  }
0xbf: {  	[dreg:$0x0] =	wrdreg $0xFFFFFFFF;
	(pc) =	sbr.abs _section_cstart, $3  }
0xc0: {  	[dreg:$0x1] =	wrdreg $0xFFFFFFFF  }
0xc1: {  	_ =	task.clear_ibuf [dreg:s7], $0x2FFFF;
	_ =	strace $0x9FFFFFFF  }
0xc2: {  	(tm) =	ssettm $0x7FFFFFFF  }
0xc3: {  	_ =	shalt  }
tec
execute0_lowered:
.L_overlay_start_1:
0x0: {  	(tag) =	ssettag $0x1  }
0x1: {  	s3 =	rddreg [dreg:$0x0]  }
0x2: {  	s4 =	rddreg [dreg:$0x1]  }
0x3: {  	s0 =	rddreg [dreg:$0x2]  }
0x4: {  	s5 =	srdreg.scid;
	s1 =	stileid.u32;
	s2 =	simm.s32 $0x0  }
0x5: {  	s15 =	simm.s32 $0x0;
	s5 =	sand.u32 $0x1, s5;
	s6 =	sshll.u32 s1, $0x1  }
0x6: {  	[smem:$0x7FF] =	sst s2;
	s6 =	sor.u32 s5, s6;
	s5 =	ssub.s32 $0x2, s5  }
0x7: {  	_ =	strace $0x80000047;
	s7 =	sshll.u32 s6, $0x4;
	s8 =	sshrl.u32 s5, $0x1  }
0x8: {  	s6 =	sshll.u32 s6, $0x8;
	s4 =	sadd.s32 s7, s4;
	s5 =	ssub.s32 s5, s8  }
0x9: {  	s3 =	sadd.s32 s3, s6;
	s6 =	simm.s32 $0x1;
	s7 =	simm.s32 $0x800  }
0xa: {  	v0 =	vimm.s32 $0x0;
	v1 =	vimm.s32 $0xFFFFFFFF;
	v2 =	vlaneseq.u32;
	s8 =	simm.s32 $0x0;
	s4 =	sadd.s32 $0xA00, s4;
	s5 =	smax.u32 s5, $0x1  }
.LBB2_1:
0xb: {  	[tilespmem:s2], [sflag:$0x1] =	stream.linear.gather [hbm4b:s3+s2], $0x800, $0x38;
	[tilespmem:$0x880] =	vst v63  }
0xc: {  	_ =	swait.ge [sflag:s6], $0x800  }
0xd: {  	s9 =	simm.s32 $0xFFFFFFFF;
	[sflag:s6] =	ssyncset.done $0x0  }
0xe: {  	s12 =	simm.s32 $0x7F800000;
	s11 =	simm.s32 $0x0;
	[sflag:s6] =	ssyncadd.s32 $0xFFFFF800  }
.LBB2_2:
0xf: {  	v4 =	vld [tilespmem:s15+$0x0]  }
0x10: {  	s10 =	ssub.s32 s12, s9;
	v6 =	vld [tilespmem:s15+$0x10]  }
0x11: {  	v8 =	vld [tilespmem:s15+$0x20];
	s10 =	sshra.s32 s10, $0x1  }
0x12: {  	v7 =	vld [tilespmem:s15+$0x30];
	s10 =	sadd.s32 s9, s10  }
0x13: {  	v5 =	vld [tilespmem:s15+$0x40];
	v3 =	vmov s10  }
0x14: {  	vm0 =	vgt.s32 v4, v3;
	v4 =	vld [tilespmem:s15+$0x50]  }
0x15: {  	v9 =	vimm.s32 $0x0;
	v10 =	vsel vm0, $0x1, v0;
	vm0 =	vgt.s32 v6, v3;
	v6 =	vld [tilespmem:s15+$0x60]  }
0x16: {  	s13 =	simm.s32 $0x80;
	s14 =	simm.s32 $0x400;
	v9 =	vadd.s32 v10, v9;
	v10 =	vsel vm0, $0x1, v0;
	vm0 =	vgt.s32 v8, v3;
	v8 =	vld [tilespmem:s15+$0x70]  }
.LBB2_3:
0x17: {  	p0 =	sne.s32 s14, $0x1E00;
	v11 =	vld [tilespmem:s13+$0x0];
	v9 =	vadd.s32 v10, v9;
	v10 =	vsel vm0, $0x1, v0;
	vm0 =	vgt.s32 v7, v3  }
0x18: {  	v12 =	vld [tilespmem:s13+$0x10];
	v7 =	vadd.s32 v10, v9;
	v9 =	vsel vm0, $0x1, v0;
	vm0 =	vgt.s32 v5, v3  }
0x19: {  	v13 =	vld [tilespmem:s13+$0x20];
	v5 =	vadd.s32 v9, v7;
	v9 =	vsel vm0, $0x1, v0;
	vm0 =	vgt.s32 v4, v3  }
.Ltmp0:
0x1a: {  	v7 =	vld [tilespmem:s13+$0x30];
	v4 =	vadd.s32 v9, v5;
	v9 =	vsel vm0, $0x1, v0;
	vm0 =	vgt.s32 v6, v3;
	(pc) =	sbr.rel @p0 .LBB2_3-.Ltmp0, $4  }
0x1b: {  	v5 =	vld [tilespmem:s13+$0x40];
	v6 =	vadd.s32 v9, v4;
	v9 =	vsel vm0, $0x1, v0;
	vm0 =	vgt.s32 v8, v3  }
0x1c: {  	vm1 =	vgt.s32 v11, v3;
	v4 =	vld [tilespmem:s13+$0x50];
	v8 =	vadd.s32 v9, v6;
	v9 =	vsel vm0, $0x1, v0  }
0x1d: {  	v10 =	vsel vm1, $0x1, v0;
	vm0 =	vgt.s32 v12, v3;
	v6 =	vld [tilespmem:s13+$0x60];
	v8 =	vadd.s32 v9, v8  }
0x1e: {  	v9 =	vadd.s32 v10, v8;
	v10 =	vsel vm0, $0x1, v0;
	vm0 =	vgt.s32 v13, v3;
	v8 =	vld [tilespmem:s13+$0x70];
	s13 =	sshra.s32 s14, $0x2;
	s14 =	sadd.s32 $0x200, s14  }
0x1f: {  	v11 =	vld [tilespmem:s13+$0x0];
	v9 =	vadd.s32 v10, v9;
	v44 =	vsel vm0, $0x1, v0;
	vm4 =	vgt.s32 v7, v3  }
0x20: {  	v45 =	vld [tilespmem:s13+$0x10];
	v9 =	vadd.s32 v44, v9;
	v46 =	vsel vm4, $0x1, v0;
	vm5 =	vgt.s32 v5, v3  }
0x21: {  	v47 =	vld [tilespmem:s13+$0x20];
	v9 =	vadd.s32 v46, v9;
	v48 =	vsel vm5, $0x1, v0;
	vm6 =	vgt.s32 v4, v3  }
0x22: {  	v49 =	vld [tilespmem:s13+$0x30];
	v9 =	vadd.s32 v48, v9;
	v50 =	vsel vm6, $0x1, v0;
	vm7 =	vgt.s32 v6, v3  }
0x23: {  	v51 =	vld [tilespmem:s13+$0x40];
	v9 =	vadd.s32 v50, v9;
	v52 =	vsel vm7, $0x1, v0;
	vm8 =	vgt.s32 v8, v3  }
0x24: {  	v53 =	vld [tilespmem:s13+$0x50];
	vm1 =	vgt.s32 v11, v3;
	v9 =	vadd.s32 v52, v9;
	v54 =	vsel vm8, $0x1, v0  }
0x25: {  	v55 =	vld [tilespmem:s13+$0x60];
	vm9 =	vgt.s32 v45, v3;
	v11 =	vsel vm1, $0x1, v0;
	v9 =	vadd.s32 v54, v9  }
0x26: {  	v57 =	vld [tilespmem:s13+$0x70];
	vm10 =	vgt.s32 v47, v3;
	v56 =	vsel vm9, $0x1, v0;
	v9 =	vadd.s32 v11, v9  }
0x27: {  	vm11 =	vgt.s32 v49, v3;
	v58 =	vsel vm10, $0x1, v0;
	v9 =	vadd.s32 v56, v9  }
0x28: {  	vm12 =	vgt.s32 v51, v3;
	v60 =	vsel vm11, $0x1, v0;
	v59 =	vadd.s32 v58, v9  }
0x29: {  	vm13 =	vgt.s32 v53, v3;
	v6 =	vsel vm12, $0x1, v0;
	v4 =	vadd.s32 v60, v59  }
0x2a: {  	vm14 =	vgt.s32 v55, v3;
	v61 =	vsel vm13, $0x1, v0;
	v4 =	vadd.s32 v6, v4  }
0x2b: {  	vm15 =	vgt.s32 v57, v3;
	v62 =	vsel vm14, $0x1, v0;
	v4 =	vadd.s32 v61, v4  }
0x2c: {  	v63 =	vsel vm15, $0x1, v0;
	v3 =	vadd.s32 v62, v4  }
0x2d: {  	v3 =	vadd.s32 v63, v3  }
0x2e: {  	(xrf0) =	vadd.scan.msk.s32 $0xffff, v3;
	_ =	sdelay $0x5  }
0x2f: {  	v3, _, _ =	vpop (xrf0)  }
0x30: {  	(v2sf) =	vpush v3, $0xF;
	_ =	sdelay $0xe  }
0x31: {  	s31 =	spop (v2sf)  }
0x32: {  	s11 =	sadd.s32 $0x1, s11;
	p0 =	sgt.s32 s31, $0x7A  }
0x33: {  	s9 =	smov.u32 @p0 s10;
	s10 =	smov.u32 @p0 s12;
	p0 =	sne.s32 s11, $0x20  }
.Ltmp1:
0x34: {  	_ = 	snop;
	(pc) =	sbr.rel @p0 .LBB2_2-.Ltmp1, $2  }
0x35: {  	_ =	sdelay $0x2  }
0x36: {  	s12 =	smov.u32 s10  }
0x37: {  	[tilespmem:$0x800] =	vst v1  }
0x38: {  	[tilespmem:$0x810] =	vst v1  }
0x39: {  	[tilespmem:$0x820] =	vst v1  }
0x3a: {  	[tilespmem:$0x830] =	vst v1  }
0x3b: {  	[tilespmem:$0x840] =	vst v1  }
0x3c: {  	[tilespmem:$0x850] =	vst v1  }
0x3d: {  	[tilespmem:$0x860] =	vst v1  }
0x3e: {  	[tilespmem:$0x870] =	vst v1;
	v3 =	vmov s10;
	v4 =	vimm.s32 $0x0;
	s9 =	simm.s32 $0x70;
	s10 =	simm.s32 $0x40  }
.LBB2_6:
0x3f: {  	v5 =	vld [tilespmem:s10+$0xFFFFFFC0];
	_ =	sdelay $0x4  }
0x40: {  	vm0 =	vge.s32 v5, v3  }
0x41: {  	v5 =	vsel vm0, $0x1, v0  }
0x42: {  	(xrf0) =	vadd.scan.msk.s32 $0xffff, v5;
	_ =	sdelay $0x5  }
0x43: {  	v5, _, _ =	vpop (xrf0)  }
0x44: {  	v5 =	vadd.s32 v5, v4  }
0x45: {  	v5 =	vadd.s32 $0xFFFFFFFF, v5  }
0x46: {  	vm1 =	vlt.s32 v5, $0x80  }
0x47: {  	vm1 =	vmand vm0, vm1;
	_ =	sdelay $0x3  }
0x48: {  	s11 =	sadd.s32 $0xFFFFFF90, s9  }
0x49: {  	v6 =	vor.u32 s11, v2  }
0x4a: {  	[tilespmem:v5+s7+$0x0] =	vst.idx.msk vm1, v6  }
0x4b: {  	v5 =	vld [tilespmem:s10+$0xFFFFFFD0];
	_ =	sdelay $0x4  }
0x4c: {  	vm14 =	vge.s32 v5, v3  }
0x4d: {  	v5 =	vsel vm14, $0x1, v0  }
0x4e: {  	(xrf0) =	vadd.scan.msk.s32 $0xffff, v5;
	_ =	sdelay $0x1  }
0x4f: {  	v5 =	vmpcnt.ones.xlane vm0;
	_ =	sdelay $0x3  }
0x50: {  	v4 =	vadd.s32 v4, v5;
	v5, _, _ =	vpop (xrf0)  }
0x51: {  	v5 =	vadd.s32 v5, v4  }
0x52: {  	v5 =	vadd.s32 $0xFFFFFFFF, v5  }
0x53: {  	vm15 =	vlt.s32 v5, $0x80  }
0x54: {  	vm0 =	vmand vm14, vm15;
	_ =	sdelay $0x3  }
0x55: {  	s25 =	sadd.s32 $0xFFFFFFA0, s9  }
0x56: {  	v6 =	vor.u32 s25, v2  }
0x57: {  	[tilespmem:v5+s7+$0x0] =	vst.idx.msk vm0, v6  }
0x58: {  	v5 =	vld [tilespmem:s10+$0xFFFFFFE0];
	_ =	sdelay $0x4  }
0x59: {  	vm4 =	vge.s32 v5, v3  }
0x5a: {  	v5 =	vsel vm4, $0x1, v0  }
0x5b: {  	(xrf0) =	vadd.scan.msk.s32 $0xffff, v5;
	_ =	sdelay $0x1  }
0x5c: {  	v5 =	vmpcnt.ones.xlane vm14;
	_ =	sdelay $0x3  }
0x5d: {  	v4 =	vadd.s32 v4, v5;
	v5, _, _ =	vpop (xrf0)  }
0x5e: {  	v5 =	vadd.s32 v5, v4  }
0x5f: {  	v5 =	vadd.s32 $0xFFFFFFFF, v5  }
0x60: {  	vm5 =	vlt.s32 v5, $0x80  }
0x61: {  	vm1 =	vmand vm4, vm5;
	_ =	sdelay $0x3  }
0x62: {  	s26 =	sadd.s32 $0xFFFFFFB0, s9  }
0x63: {  	v6 =	vor.u32 s26, v2  }
0x64: {  	[tilespmem:v5+s7+$0x0] =	vst.idx.msk vm1, v6  }
0x65: {  	v5 =	vld [tilespmem:s10+$0xFFFFFFF0];
	_ =	sdelay $0x4  }
0x66: {  	vm6 =	vge.s32 v5, v3  }
0x67: {  	v5 =	vsel vm6, $0x1, v0  }
0x68: {  	(xrf0) =	vadd.scan.msk.s32 $0xffff, v5;
	_ =	sdelay $0x1  }
0x69: {  	v5 =	vmpcnt.ones.xlane vm4;
	_ =	sdelay $0x3  }
0x6a: {  	v4 =	vadd.s32 v4, v5;
	v5, _, _ =	vpop (xrf0)  }
0x6b: {  	v5 =	vadd.s32 v5, v4  }
0x6c: {  	v5 =	vadd.s32 $0xFFFFFFFF, v5  }
0x6d: {  	vm7 =	vlt.s32 v5, $0x80  }
0x6e: {  	vm0 =	vmand vm6, vm7;
	_ =	sdelay $0x3  }
0x6f: {  	s28 =	sadd.s32 $0xFFFFFFC0, s9  }
0x70: {  	v6 =	vor.u32 s28, v2  }
0x71: {  	[tilespmem:v5+s7+$0x0] =	vst.idx.msk vm0, v6  }
0x72: {  	v5 =	vld [tilespmem:s10+$0x0];
	_ =	sdelay $0x4  }
0x73: {  	vm8 =	vge.s32 v5, v3  }
0x74: {  	v5 =	vsel vm8, $0x1, v0  }
0x75: {  	(xrf0) =	vadd.scan.msk.s32 $0xffff, v5;
	_ =	sdelay $0x1  }
0x76: {  	v5 =	vmpcnt.ones.xlane vm6;
	_ =	sdelay $0x3  }
0x77: {  	v4 =	vadd.s32 v4, v5;
	v5, _, _ =	vpop (xrf0)  }
0x78: {  	v5 =	vadd.s32 v5, v4  }
0x79: {  	v5 =	vadd.s32 $0xFFFFFFFF, v5  }
0x7a: {  	vm9 =	vlt.s32 v5, $0x80  }
0x7b: {  	vm1 =	vmand vm8, vm9;
	_ =	sdelay $0x3  }
0x7c: {  	s29 =	sadd.s32 $0xFFFFFFD0, s9  }
0x7d: {  	v6 =	vor.u32 s29, v2  }
0x7e: {  	[tilespmem:v5+s7+$0x0] =	vst.idx.msk vm1, v6  }
0x7f: {  	v5 =	vld [tilespmem:s10+$0x10];
	_ =	sdelay $0x4  }
0x80: {  	vm10 =	vge.s32 v5, v3  }
0x81: {  	v5 =	vsel vm10, $0x1, v0  }
0x82: {  	(xrf0) =	vadd.scan.msk.s32 $0xffff, v5;
	_ =	sdelay $0x1  }
0x83: {  	v5 =	vmpcnt.ones.xlane vm8;
	_ =	sdelay $0x3  }
0x84: {  	v4 =	vadd.s32 v4, v5;
	v5, _, _ =	vpop (xrf0)  }
0x85: {  	v5 =	vadd.s32 v5, v4  }
0x86: {  	v5 =	vadd.s32 $0xFFFFFFFF, v5  }
0x87: {  	vm11 =	vlt.s32 v5, $0x80  }
0x88: {  	vm0 =	vmand vm10, vm11;
	_ =	sdelay $0x3  }
0x89: {  	s30 =	sadd.s32 $0xFFFFFFE0, s9  }
0x8a: {  	v6 =	vor.u32 s30, v2  }
0x8b: {  	[tilespmem:v5+s7+$0x0] =	vst.idx.msk vm0, v6  }
0x8c: {  	v5 =	vld [tilespmem:s10+$0x20];
	_ =	sdelay $0x4  }
0x8d: {  	vm12 =	vge.s32 v5, v3  }
0x8e: {  	v5 =	vsel vm12, $0x1, v0  }
0x8f: {  	(xrf0) =	vadd.scan.msk.s32 $0xffff, v5;
	_ =	sdelay $0x1  }
0x90: {  	v5 =	vmpcnt.ones.xlane vm10;
	_ =	sdelay $0x3  }
0x91: {  	v4 =	vadd.s32 v4, v5;
	v5, _, _ =	vpop (xrf0)  }
0x92: {  	v5 =	vadd.s32 v5, v4  }
0x93: {  	v5 =	vadd.s32 $0xFFFFFFFF, v5  }
0x94: {  	vm13 =	vlt.s32 v5, $0x80  }
0x95: {  	vm1 =	vmand vm12, vm13;
	_ =	sdelay $0x3  }
0x96: {  	s31 =	sadd.s32 $0xFFFFFFF0, s9  }
0x97: {  	v6 =	vor.u32 s31, v2  }
0x98: {  	[tilespmem:v5+s7+$0x0] =	vst.idx.msk vm1, v6  }
0x99: {  	v5 =	vld [tilespmem:s10+$0x30];
	_ =	sdelay $0x4  }
0x9a: {  	vm14 =	vge.s32 v5, v3  }
0x9b: {  	v5 =	vsel vm14, $0x1, v0  }
0x9c: {  	(xrf0) =	vadd.scan.msk.s32 $0xffff, v5;
	_ =	sdelay $0x1  }
0x9d: {  	v5 =	vmpcnt.ones.xlane vm12;
	_ =	sdelay $0x3  }
0x9e: {  	v4 =	vadd.s32 v4, v5;
	v5, _, _ =	vpop (xrf0)  }
0x9f: {  	v5 =	vadd.s32 v5, v4  }
0xa0: {  	v5 =	vadd.s32 $0xFFFFFFFF, v5  }
0xa1: {  	vm15 =	vlt.s32 v5, $0x80  }
0xa2: {  	vm0 =	vmand vm14, vm15  }
0xa3: {  	p0 =	sne.s32 s9, $0x7F0  }
.Ltmp2:
0xa4: {  	_ = 	snop;
	(pc) =	sbr.rel @p0 .LBB2_6-.Ltmp2, $4  }
0xa5: {  	_ = 	snop  }
0xa6: {  	v6 =	vmpcnt.ones.xlane vm14  }
0xa7: {  	v7 =	vor.u32 s9, v2  }
0xa8: {  	s9 =	sadd.s32 $0x80, s9;
	s10 =	sadd.s32 $0x80, s10;
	v4 =	vadd.s32 v4, v6;
	[tilespmem:v5+s7+$0x0] =	vst.idx.msk vm0, v7  }
0xa9: {  	s8 =	sadd.s32 $0x1, s8  }
0xaa: {  	p0 =	sne.s32 s8, s5  }
.Ltmp3:
0xab: {  	_ = 	snop;
	(pc) =	sbr.rel @p0 .LBB2_1-.Ltmp3, $4  }
0xac: {  	[hbm4b:s4+s2] =	stream.linear.scatter [tilespmem:s7], [sflag:$0x1], $0x80, $0x38;
	[tilespmem:$0x880] =	vst v63  }
0xad: {  	_ =	swait.ge [sflag:s6], $0x80  }
0xae: {  	[sflag:s6] =	ssyncset.done $0x0  }
0xaf: {  	[sflag:s6] =	ssyncadd.s32 $0xFFFFFF80  }
0xb0: {  	_ =	sfence.sel $0x180000  }
0xb1: {  	[bflag:$0x0] =	sbarrier.arrive $0xFFFF  }
0xb2: {  	p0 =	sne.s32 s1, $0x0;
	_ =	strace $0x90000047  }
0xb3: {  	s0 =	sadd.s32 @!p0 $0x100000, s0;
	[bflag:$0x2] =	sbarrier.arrive $0xFFFF  }
0xb4: {  	[sflag:s0] =	ssyncadd.tile.s32 @!p0 $0x1;
	_ =	shalt  }
.Lfunc_end2:
_tile_overlayer_lowered:
.L_overlay_start_2:
0xb5: {  	(tag) =	ssettag $0x2  }
0xb6: {  	s0 =	rddreg [dreg:$0x0];
	s2 =	stileid.u32  }
0xb7: {  	s1 =	rddreg [dreg:$0x1];
	p0 =	sne.s32 s2, $0x0  }
0xb8: {  	s3 =	rddreg [dreg:$0x2];
	[bflag:$0x3] =	sbarrier.arrive $0xFFFF;
	s2 =	simm.s32 @!p0 $0x1C01  }
0xb9: {  	[timem:s3], [sflag:s2] =	dma.local @!p0 [hbm:s0], s1  }
0xba: {  	s0 =	simm.s32 @!p0 $0x1  }
0xbb: {  	_ =	swait.ge @!p0 [sflag:s0], s1  }
0xbc: {  	s1 =	ssub.s32 @!p0 $0x0, s1;
	[sflag:s0] =	ssyncset.done @!p0 $0x0  }
0xbd: {  	[sflag:s0] =	ssyncadd.s32 @!p0 s1  }
0xbe: {  	[bflag:$0x3] =	sbarrier.arrive $0xFFFF  }
0xbf: {  	_ =	shalt  }

</sc_bundles>
